<compile_context>
chip_gen: v7x
topology: tpu7x:2x2x1
jax: 0.10.2.dev20260603
libtpu: 0.0.44.dev20260713+nightly
codegen_flags: <defaults>
</compile_context>

<pallas_src>
import functools

import jax
import jax.numpy as jnp
from jax import lax
from jax.experimental import pallas as pl
from jax.experimental.pallas import tpu as pltpu
from jax.experimental.pallas import tpu_sc as plsc

NUM_EDGES = 320000
HIDDEN = 128
EMB_DIM = 48
C0, C1, C2 = 24, 6, 2
NCOMBO = C0 * C1 * C2
CHUNK = 128
BLOCK = 2 * CHUNK
NC, NS = 2, 16
NW = NC * NS
NBLK = 40
SPAN = NBLK * BLOCK
NROW = SPAN // CHUNK


def _table_body(emb0_ref, emb1_ref, emb2_ref, w_ref, b_ref, t_ref):
    s = lax.broadcasted_iota(jnp.int32, (NCOMBO, 1), 0)
    i0 = s // (C1 * C2)
    i1 = (s // C2) % C1
    i2 = s % C2
    oh0 = (i0 == lax.broadcasted_iota(jnp.int32, (NCOMBO, C0), 1)).astype(jnp.float32)
    oh1 = (i1 == lax.broadcasted_iota(jnp.int32, (NCOMBO, 8), 1)).astype(jnp.float32)
    oh2 = (i2 == lax.broadcasted_iota(jnp.int32, (NCOMBO, 8), 1)).astype(jnp.float32)
    dot = functools.partial(
        jnp.dot, preferred_element_type=jnp.float32, precision=lax.Precision.HIGHEST
    )
    a = dot(oh0, emb0_ref[...]) + dot(oh1, emb1_ref[...]) + dot(oh2, emb2_ref[...])
    h = dot(a, w_ref[...]) + b_ref[...]
    t_ref[...] = 0.5 * h * (1.0 + lax.erf(h * 0.7071067811865476))


_table_call = pl.pallas_call(
    _table_body,
    out_shape=jax.ShapeDtypeStruct((NCOMBO, HIDDEN), jnp.float32),
)


def _make_expand():
    mesh = plsc.VectorSubcoreMesh(core_axis_name="c", subcore_axis_name="s")

    @functools.partial(
        pl.kernel,
        mesh=mesh,
        out_type=jax.ShapeDtypeStruct((NUM_EDGES, HIDDEN), jnp.float32),
        scratch_types=[
            pltpu.VMEM_SHARED((NCOMBO, HIDDEN), jnp.float32),
            pltpu.VMEM((SPAN,), jnp.int32),
            pltpu.VMEM((SPAN,), jnp.int32),
            pltpu.VMEM((SPAN,), jnp.int32),
            pltpu.VMEM((NROW, CHUNK), jnp.int32),
            pltpu.VMEM((BLOCK, HIDDEN), jnp.float32),
            pltpu.VMEM((BLOCK, HIDDEN), jnp.float32),
            pltpu.SemaphoreType.DMA,
            pltpu.SemaphoreType.DMA,
            pltpu.SemaphoreType.DMA,
            pltpu.SemaphoreType.DMA,
            pltpu.SemaphoreType.DMA,
        ],
    )
    def expand(
        e0_hbm, e1_hbm, e2_hbm, t_hbm, out_hbm,
        tv, ev0, ev1, ev2, idxs, rows0, rows1, sg0, sg1, sw0, sw1, se,
    ):
        cid = lax.axis_index("c")
        sid = lax.axis_index("s")
        w = sid * NC + cid
        ebase = 8 * ((w * ((NUM_EDGES - SPAN) // 8)) // (NW - 1))

        @pl.when(sid == 0)
        def _():
            pltpu.sync_copy(t_hbm, tv)

        c0_ = pltpu.async_copy(e0_hbm.at[pl.ds(ebase, SPAN)], ev0, se)
        c1_ = pltpu.async_copy(e1_hbm.at[pl.ds(ebase, SPAN)], ev1, se)
        c2_ = pltpu.async_copy(e2_hbm.at[pl.ds(ebase, SPAN)], ev2, se)
        c0_.wait()
        c1_.wait()
        c2_.wait()

        def idx_row(r, carry):
            for k in range(CHUNK // 16):
                sl = pl.ds(r * CHUNK + 16 * k, 16)
                idxs[r, pl.ds(16 * k, 16)] = (ev0[sl] * C1 + ev1[sl]) * C2 + ev2[sl]
            return carry

        lax.fori_loop(0, NROW, idx_row, 0)

        plsc.subcore_barrier()

        def start_gather(j, rowsv, sem):
            pltpu.async_copy(tv.at[idxs.at[2 * j]], rowsv.at[pl.ds(0, CHUNK)], sem)
            pltpu.async_copy(
                tv.at[idxs.at[2 * j + 1]], rowsv.at[pl.ds(CHUNK, CHUNK)], sem
            )

        def wait_gather(j, rowsv, sem):
            pltpu.make_async_copy(
                tv.at[idxs.at[2 * j]], rowsv.at[pl.ds(0, CHUNK)], sem
            ).wait()
            pltpu.make_async_copy(
                tv.at[idxs.at[2 * j + 1]], rowsv.at[pl.ds(CHUNK, CHUNK)], sem
            ).wait()

        def start_write(j, rowsv, sem):
            pltpu.async_copy(
                rowsv, out_hbm.at[pl.ds(ebase + j * BLOCK, BLOCK)], sem
            )

        def wait_write(j, rowsv, sem):
            pltpu.make_async_copy(
                rowsv, out_hbm.at[pl.ds(ebase + j * BLOCK, BLOCK)], sem
            ).wait()

        start_gather(0, rows0, sg0)

        def body(i, carry):
            j0 = 2 * i
            j1 = j0 + 1

            @pl.when(i > 0)
            def _():
                wait_write(j1 - 2, rows1, sw1)

            start_gather(j1, rows1, sg1)
            wait_gather(j0, rows0, sg0)
            start_write(j0, rows0, sw0)

            @pl.when(i < NBLK // 2 - 1)
            def _():
                wait_write(j0, rows0, sw0)
                start_gather(j0 + 2, rows0, sg0)

            wait_gather(j1, rows1, sg1)
            start_write(j1, rows1, sw1)
            return carry

        lax.fori_loop(0, NBLK // 2, body, 0)

        wait_write(NBLK - 2, rows0, sw0)
        wait_write(NBLK - 1, rows1, sw1)

    return expand


_expand_call = _make_expand()


def kernel(e, emb0, emb1, emb2, W, b):
    et = e.T
    emb1p = jnp.pad(emb1, ((0, 8 - C1), (0, 0)))
    emb2p = jnp.pad(emb2, ((0, 8 - C2), (0, 0)))
    table = _table_call(emb0, emb1p, emb2p, W, b.reshape(1, HIDDEN))
    return _expand_call(et[0], et[1], et[2], table)

# --- scband reference (transcript-rebuilt; emitter-appended) ---
"""Pipeline reference for scband-edge-encoder-55181739819226 (READ-ONLY COPY).

The authoritative reference and input builder live on the scoring server;
editing this copy changes nothing except your own understanding.
"""

import jax, jax.numpy as jnp
import numpy as np

NUM_EDGES = 320000
HIDDEN = 128
EMB_DIM = 48
CARDS = (24, 6, 2)

def setup_inputs(seed: int = 0) -> dict:
    key = jax.random.key(seed)
    k_e, k0, k1, k2, kw, kb = jax.random.split(key, 6)
    e = jax.random.randint(k_e, (NUM_EDGES, 3), 0, 2, dtype=jnp.int32)
    emb0 = jax.random.normal(k0, (CARDS[0], EMB_DIM), dtype=jnp.float32)
    emb1 = jax.random.normal(k1, (CARDS[1], EMB_DIM), dtype=jnp.float32)
    emb2 = jax.random.normal(k2, (CARDS[2], EMB_DIM), dtype=jnp.float32)
    bound = 1.0 / np.sqrt(EMB_DIM)
    W = jax.random.uniform(kw, (EMB_DIM, HIDDEN), dtype=jnp.float32, minval=-bound, maxval=bound)
    b = jax.random.uniform(kb, (HIDDEN,), dtype=jnp.float32, minval=-bound, maxval=bound)
    return {"e": e, "emb0": emb0, "emb1": emb1, "emb2": emb2, "W": W, "b": b}

def reference(e, emb0, emb1, emb2, W, b):
    # sum of per-feature embedding lookups (gathers)
    x = jnp.take(emb0, e[:, 0], axis=0) + jnp.take(emb1, e[:, 1], axis=0) + jnp.take(emb2, e[:, 2], axis=0)
    # Linear -> GELU (exact erf variant, matching torch.nn.GELU default); dropout is identity in eval
    h = x @ W + b
    return jax.nn.gelu(h, approximate=False)

if __name__ == "__main__":
    import jax
    _d = setup_inputs()
    print(jax.jit(kernel)(*tuple(_d.values())))

</pallas_src>

<mosaic_0001>
#map = affine_map<(d0, d1) -> (0)>
#map1 = affine_map<(d0, d1) -> (0, 0)>
module attributes {stable_mosaic.version = 14 : i64} {
  func.func @expand(%arg0: i32, %arg1: i32, %arg2: memref<320000xi32, #tpu.memory_space<hbm>>, %arg3: memref<320000xi32, #tpu.memory_space<hbm>>, %arg4: memref<320000xi32, #tpu.memory_space<hbm>>, %arg5: memref<288x128xf32, #tpu.memory_space<hbm>>, %arg6: memref<320000x128xf32, #tpu.memory_space<hbm>>, %arg7: memref<288x128xf32, #tpu.memory_space<vmem_shared>>, %arg8: memref<10240xi32, #tpu.memory_space<vmem>>, %arg9: memref<10240xi32, #tpu.memory_space<vmem>>, %arg10: memref<10240xi32, #tpu.memory_space<vmem>>, %arg11: memref<80x128xi32, #tpu.memory_space<vmem>>, %arg12: memref<256x128xf32, #tpu.memory_space<vmem>>, %arg13: memref<256x128xf32, #tpu.memory_space<vmem>>, %arg14: memref<!tpu.dma_semaphore, #tpu.memory_space<semaphore_mem>>, %arg15: memref<!tpu.dma_semaphore, #tpu.memory_space<semaphore_mem>>, %arg16: memref<!tpu.dma_semaphore, #tpu.memory_space<semaphore_mem>>, %arg17: memref<!tpu.dma_semaphore, #tpu.memory_space<semaphore_mem>>, %arg18: memref<!tpu.dma_semaphore, #tpu.memory_space<semaphore_mem>>) attributes {dimension_semantics = [#tpu.dimension_semantics<core_parallel>, #tpu.dimension_semantics<subcore_parallel>], iteration_bounds = array<i64: 2, 16>, scalar_prefetch = 0 : i64, scratch_operands = 12 : i64, tpu.core_type = #tpu.core_type<sc_vector_subcore>, window_params = [{transform_indices = #map}, {transform_indices = #map}, {transform_indices = #map}, {transform_indices = #map1}, {transform_indices = #map1}]} {
    %mul3A = arith.constant 2 : i32
    %mul3A_0 = arith.muli %arg1, %mul3A : i32
    %add3A = arith.addi %mul3A_0, %arg0 : i32
    %mul3A_1 = arith.constant 38720 : i32
    %mul3A_2 = arith.muli %add3A, %mul3A_1 : i32
    %jit3A = arith.constant 31 : i32
    %div3A = arith.divsi %mul3A_2, %jit3A : i32
    %sign3A = arith.constant 0 : i32
    %sign3A_3 = arith.cmpi sgt, %mul3A_2, %sign3A : i32
    %sign3A_4 = arith.extui %sign3A_3 : i1 to i32
    %sign3A_5 = arith.constant 0 : i32
    %sign3A_6 = arith.cmpi slt, %mul3A_2, %sign3A_5 : i32
    %sign3A_7 = arith.extui %sign3A_6 : i1 to i32
    %sign3A_8 = arith.subi %sign3A_4, %sign3A_7 : i32
    %sign3A_9 = arith.constant 0 : i32
    %sign3A_10 = arith.cmpi sgt, %jit3A, %sign3A_9 : i32
    %sign3A_11 = arith.extui %sign3A_10 : i1 to i32
    %sign3A_12 = arith.constant 0 : i32
    %sign3A_13 = arith.cmpi slt, %jit3A, %sign3A_12 : i32
    %sign3A_14 = arith.extui %sign3A_13 : i1 to i32
    %sign3A_15 = arith.subi %sign3A_11, %sign3A_14 : i32
    %ne3A = arith.cmpi ne, %sign3A_8, %sign3A_15 : i32
    %rem3A = arith.remsi %mul3A_2, %jit3A : i32
    %ne3A_16 = arith.constant 0 : i32
    %ne3A_17 = arith.cmpi ne, %rem3A, %ne3A_16 : i32
    %and3A = arith.andi %ne3A, %ne3A_17 : i1
    %sub3A = arith.constant 1 : i32
    %sub3A_18 = arith.subi %div3A, %sub3A : i32
    %select_n3A = arith.select %and3A, %sub3A_18, %div3A : i32
    %mul3A_19 = arith.constant 8 : i32
    %mul3A_20 = arith.muli %mul3A_19, %select_n3A : i32
    %eq3A = arith.constant 0 : i32
    %eq3A_21 = arith.cmpi eq, %arg1, %eq3A : i32
    %convert_element_type3A = arith.extui %eq3A_21 : i1 to i32
    %cond3A = arith.constant 0 : i32
    %cond3A_22 = arith.cmpi ne, %convert_element_type3A, %cond3A : i32
    scf.if %cond3A_22 {
      "tpu.region"() ({
        %run_scoped3A = tpu.sem_alloc : memref<!tpu.dma_semaphore, #tpu.memory_space<semaphore_mem>>
        tpu.enqueue_dma source(%arg5 : memref<288x128xf32, #tpu.memory_space<hbm>>) target(%arg7 : memref<288x128xf32, #tpu.memory_space<vmem_shared>>) target_semaphore(%run_scoped3A : memref<!tpu.dma_semaphore, #tpu.memory_space<semaphore_mem>>)
        tpu.wait_dma2 semaphore(%run_scoped3A : memref<!tpu.dma_semaphore, #tpu.memory_space<semaphore_mem>>) src(%arg5 : memref<288x128xf32, #tpu.memory_space<hbm>>) dst(%arg7 : memref<288x128xf32, #tpu.memory_space<vmem_shared>>)
        tpu.yield
      }) : () -> ()
    } else {
    }
    %dma_start3A = tpu.memref_slice %arg2[%mul3A_20] : memref<320000xi32, #tpu.memory_space<hbm>> -> memref<10240xi32, #tpu.memory_space<hbm>>
    %dma_start3A_23 = tpu.memref_slice %arg2[%mul3A_20] : memref<320000xi32, #tpu.memory_space<hbm>> -> memref<10240xi32, #tpu.memory_space<hbm>>
    tpu.enqueue_dma source(%dma_start3A_23 : memref<10240xi32, #tpu.memory_space<hbm>>) target(%arg8 : memref<10240xi32, #tpu.memory_space<vmem>>) target_semaphore(%arg18 : memref<!tpu.dma_semaphore, #tpu.memory_space<semaphore_mem>>)
    %dma_start3A_24 = tpu.memref_slice %arg3[%mul3A_20] : memref<320000xi32, #tpu.memory_space<hbm>> -> memref<10240xi32, #tpu.memory_space<hbm>>
    %dma_start3A_25 = tpu.memref_slice %arg3[%mul3A_20] : memref<320000xi32, #tpu.memory_space<hbm>> -> memref<10240xi32, #tpu.memory_space<hbm>>
    tpu.enqueue_dma source(%dma_start3A_25 : memref<10240xi32, #tpu.memory_space<hbm>>) target(%arg9 : memref<10240xi32, #tpu.memory_space<vmem>>) target_semaphore(%arg18 : memref<!tpu.dma_semaphore, #tpu.memory_space<semaphore_mem>>)
    %dma_start3A_26 = tpu.memref_slice %arg4[%mul3A_20] : memref<320000xi32, #tpu.memory_space<hbm>> -> memref<10240xi32, #tpu.memory_space<hbm>>
    %dma_start3A_27 = tpu.memref_slice %arg4[%mul3A_20] : memref<320000xi32, #tpu.memory_space<hbm>> -> memref<10240xi32, #tpu.memory_space<hbm>>
    tpu.enqueue_dma source(%dma_start3A_27 : memref<10240xi32, #tpu.memory_space<hbm>>) target(%arg10 : memref<10240xi32, #tpu.memory_space<vmem>>) target_semaphore(%arg18 : memref<!tpu.dma_semaphore, #tpu.memory_space<semaphore_mem>>)
    %dma_wait3A = tpu.memref_slice %arg2[%mul3A_20] : memref<320000xi32, #tpu.memory_space<hbm>> -> memref<10240xi32, #tpu.memory_space<hbm>>
    %dma_wait3A_28 = tpu.memref_slice %arg2[%mul3A_20] : memref<320000xi32, #tpu.memory_space<hbm>> -> memref<10240xi32, #tpu.memory_space<hbm>>
    tpu.wait_dma2 semaphore(%arg18 : memref<!tpu.dma_semaphore, #tpu.memory_space<semaphore_mem>>) src(%dma_wait3A_28 : memref<10240xi32, #tpu.memory_space<hbm>>) dst(%arg8 : memref<10240xi32, #tpu.memory_space<vmem>>)
    %dma_wait3A_29 = tpu.memref_slice %arg3[%mul3A_20] : memref<320000xi32, #tpu.memory_space<hbm>> -> memref<10240xi32, #tpu.memory_space<hbm>>
    %dma_wait3A_30 = tpu.memref_slice %arg3[%mul3A_20] : memref<320000xi32, #tpu.memory_space<hbm>> -> memref<10240xi32, #tpu.memory_space<hbm>>
    tpu.wait_dma2 semaphore(%arg18 : memref<!tpu.dma_semaphore, #tpu.memory_space<semaphore_mem>>) src(%dma_wait3A_30 : memref<10240xi32, #tpu.memory_space<hbm>>) dst(%arg9 : memref<10240xi32, #tpu.memory_space<vmem>>)
    %dma_wait3A_31 = tpu.memref_slice %arg4[%mul3A_20] : memref<320000xi32, #tpu.memory_space<hbm>> -> memref<10240xi32, #tpu.memory_space<hbm>>
    %dma_wait3A_32 = tpu.memref_slice %arg4[%mul3A_20] : memref<320000xi32, #tpu.memory_space<hbm>> -> memref<10240xi32, #tpu.memory_space<hbm>>
    tpu.wait_dma2 semaphore(%arg18 : memref<!tpu.dma_semaphore, #tpu.memory_space<semaphore_mem>>) src(%dma_wait3A_32 : memref<10240xi32, #tpu.memory_space<hbm>>) dst(%arg10 : memref<10240xi32, #tpu.memory_space<vmem>>)
    %scan3A = arith.constant 0 : i32
    %scan3A_33 = arith.constant 0 : i32
    %scan3A_34 = arith.constant 80 : i32
    %scan3A_35 = arith.addi %scan3A_33, %scan3A_34 : i32
    %scan3A_36 = arith.constant 1 : i32
    scf.for %scan3A_76 = %scan3A_33 to %scan3A_35 step %scan3A_36  : i32 {
      %mul3A_77 = arith.constant 128 : i32
      %mul3A_78 = arith.muli %scan3A_76, %mul3A_77 : i32
      %add3A_79 = arith.constant 0 : i32
      %add3A_80 = arith.addi %mul3A_78, %add3A_79 : i32
      %get3A = arith.index_cast %add3A_80 : i32 to index
      %get3A_81 = tpu.vector_load %arg8[%get3A] {strides = array<i32>} : memref<10240xi32, #tpu.memory_space<vmem>>, vector<16xi32>,
      %get3A_82 = vector.shape_cast %get3A_81 : vector<16xi32> to vector<16xi32>
      %mul3A_83 = arith.constant 6 : i32
      %mul3A_84 = vector.broadcast %mul3A_83 : i32 to vector<16xi32>
      %mul3A_85 = arith.muli %get3A_82, %mul3A_84 : vector<16xi32>
      %get3A_86 = arith.index_cast %add3A_80 : i32 to index
      %get3A_87 = tpu.vector_load %arg9[%get3A_86] {strides = array<i32>} : memref<10240xi32, #tpu.memory_space<vmem>>, vector<16xi32>,
      %get3A_88 = vector.shape_cast %get3A_87 : vector<16xi32> to vector<16xi32>
      %add3A_89 = arith.addi %mul3A_85, %get3A_88 : vector<16xi32>
      %mul3A_90 = arith.constant 2 : i32
      %mul3A_91 = vector.broadcast %mul3A_90 : i32 to vector<16xi32>
      %mul3A_92 = arith.muli %add3A_89, %mul3A_91 : vector<16xi32>
      %get3A_93 = arith.index_cast %add3A_80 : i32 to index
      %get3A_94 = tpu.vector_load %arg10[%get3A_93] {strides = array<i32>} : memref<10240xi32, #tpu.memory_space<vmem>>, vector<16xi32>,
      %get3A_95 = vector.shape_cast %get3A_94 : vector<16xi32> to vector<16xi32>
      %add3A_96 = arith.addi %mul3A_92, %get3A_95 : vector<16xi32>
      %swap3A = arith.index_cast %scan3A_76 : i32 to index
      %swap3A_97 = arith.constant 0 : index
      %swap3A_98 = tpu.vector_load %arg11[%swap3A, %swap3A_97] {strides = array<i32>} : memref<80x128xi32, #tpu.memory_space<vmem>>, vector<1x16xi32>,
      %swap3A_99 = vector.shape_cast %swap3A_98 : vector<1x16xi32> to vector<16xi32>
      %swap3A_100 = vector.shape_cast %add3A_96 : vector<16xi32> to vector<1x16xi32>
      tpu.vector_store %arg11[%swap3A, %swap3A_97], %swap3A_100 {strides = array<i32>} : memref<80x128xi32, #tpu.memory_space<vmem>>, vector<1x16xi32>,
      %mul3A_101 = arith.constant 128 : i32
      %mul3A_102 = arith.muli %scan3A_76, %mul3A_101 : i32
      %add3A_103 = arith.constant 16 : i32
      %add3A_104 = arith.addi %mul3A_102, %add3A_103 : i32
      %get3A_105 = arith.index_cast %add3A_104 : i32 to index
      %get3A_106 = tpu.vector_load %arg8[%get3A_105] {strides = array<i32>} : memref<10240xi32, #tpu.memory_space<vmem>>, vector<16xi32>,
      %get3A_107 = vector.shape_cast %get3A_106 : vector<16xi32> to vector<16xi32>
      %mul3A_108 = arith.constant 6 : i32
      %mul3A_109 = vector.broadcast %mul3A_108 : i32 to vector<16xi32>
      %mul3A_110 = arith.muli %get3A_107, %mul3A_109 : vector<16xi32>
      %get3A_111 = arith.index_cast %add3A_104 : i32 to index
      %get3A_112 = tpu.vector_load %arg9[%get3A_111] {strides = array<i32>} : memref<10240xi32, #tpu.memory_space<vmem>>, vector<16xi32>,
      %get3A_113 = vector.shape_cast %get3A_112 : vector<16xi32> to vector<16xi32>
      %add3A_114 = arith.addi %mul3A_110, %get3A_113 : vector<16xi32>
      %mul3A_115 = arith.constant 2 : i32
      %mul3A_116 = vector.broadcast %mul3A_115 : i32 to vector<16xi32>
      %mul3A_117 = arith.muli %add3A_114, %mul3A_116 : vector<16xi32>
      %get3A_118 = arith.index_cast %add3A_104 : i32 to index
      %get3A_119 = tpu.vector_load %arg10[%get3A_118] {strides = array<i32>} : memref<10240xi32, #tpu.memory_space<vmem>>, vector<16xi32>,
      %get3A_120 = vector.shape_cast %get3A_119 : vector<16xi32> to vector<16xi32>
      %add3A_121 = arith.addi %mul3A_117, %get3A_120 : vector<16xi32>
      %swap3A_122 = arith.index_cast %scan3A_76 : i32 to index
      %swap3A_123 = arith.constant 16 : index
      %swap3A_124 = tpu.vector_load %arg11[%swap3A_122, %swap3A_123] {strides = array<i32>} : memref<80x128xi32, #tpu.memory_space<vmem>>, vector<1x16xi32>,
      %swap3A_125 = vector.shape_cast %swap3A_124 : vector<1x16xi32> to vector<16xi32>
      %swap3A_126 = vector.shape_cast %add3A_121 : vector<16xi32> to vector<1x16xi32>
      tpu.vector_store %arg11[%swap3A_122, %swap3A_123], %swap3A_126 {strides = array<i32>} : memref<80x128xi32, #tpu.memory_space<vmem>>, vector<1x16xi32>,
      %mul3A_127 = arith.constant 128 : i32
      %mul3A_128 = arith.muli %scan3A_76, %mul3A_127 : i32
      %add3A_129 = arith.constant 32 : i32
      %add3A_130 = arith.addi %mul3A_128, %add3A_129 : i32
      %get3A_131 = arith.index_cast %add3A_130 : i32 to index
      %get3A_132 = tpu.vector_load %arg8[%get3A_131] {strides = array<i32>} : memref<10240xi32, #tpu.memory_space<vmem>>, vector<16xi32>,
      %get3A_133 = vector.shape_cast %get3A_132 : vector<16xi32> to vector<16xi32>
      %mul3A_134 = arith.constant 6 : i32
      %mul3A_135 = vector.broadcast %mul3A_134 : i32 to vector<16xi32>
      %mul3A_136 = arith.muli %get3A_133, %mul3A_135 : vector<16xi32>
      %get3A_137 = arith.index_cast %add3A_130 : i32 to index
      %get3A_138 = tpu.vector_load %arg9[%get3A_137] {strides = array<i32>} : memref<10240xi32, #tpu.memory_space<vmem>>, vector<16xi32>,
      %get3A_139 = vector.shape_cast %get3A_138 : vector<16xi32> to vector<16xi32>
      %add3A_140 = arith.addi %mul3A_136, %get3A_139 : vector<16xi32>
      %mul3A_141 = arith.constant 2 : i32
      %mul3A_142 = vector.broadcast %mul3A_141 : i32 to vector<16xi32>
      %mul3A_143 = arith.muli %add3A_140, %mul3A_142 : vector<16xi32>
      %get3A_144 = arith.index_cast %add3A_130 : i32 to index
      %get3A_145 = tpu.vector_load %arg10[%get3A_144] {strides = array<i32>} : memref<10240xi32, #tpu.memory_space<vmem>>, vector<16xi32>,
      %get3A_146 = vector.shape_cast %get3A_145 : vector<16xi32> to vector<16xi32>
      %add3A_147 = arith.addi %mul3A_143, %get3A_146 : vector<16xi32>
      %swap3A_148 = arith.index_cast %scan3A_76 : i32 to index
      %swap3A_149 = arith.constant 32 : index
      %swap3A_150 = tpu.vector_load %arg11[%swap3A_148, %swap3A_149] {strides = array<i32>} : memref<80x128xi32, #tpu.memory_space<vmem>>, vector<1x16xi32>,
      %swap3A_151 = vector.shape_cast %swap3A_150 : vector<1x16xi32> to vector<16xi32>
      %swap3A_152 = vector.shape_cast %add3A_147 : vector<16xi32> to vector<1x16xi32>
      tpu.vector_store %arg11[%swap3A_148, %swap3A_149], %swap3A_152 {strides = array<i32>} : memref<80x128xi32, #tpu.memory_space<vmem>>, vector<1x16xi32>,
      %mul3A_153 = arith.constant 128 : i32
      %mul3A_154 = arith.muli %scan3A_76, %mul3A_153 : i32
      %add3A_155 = arith.constant 48 : i32
      %add3A_156 = arith.addi %mul3A_154, %add3A_155 : i32
      %get3A_157 = arith.index_cast %add3A_156 : i32 to index
      %get3A_158 = tpu.vector_load %arg8[%get3A_157] {strides = array<i32>} : memref<10240xi32, #tpu.memory_space<vmem>>, vector<16xi32>,
      %get3A_159 = vector.shape_cast %get3A_158 : vector<16xi32> to vector<16xi32>
      %mul3A_160 = arith.constant 6 : i32
      %mul3A_161 = vector.broadcast %mul3A_160 : i32 to vector<16xi32>
      %mul3A_162 = arith.muli %get3A_159, %mul3A_161 : vector<16xi32>
      %get3A_163 = arith.index_cast %add3A_156 : i32 to index
      %get3A_164 = tpu.vector_load %arg9[%get3A_163] {strides = array<i32>} : memref<10240xi32, #tpu.memory_space<vmem>>, vector<16xi32>,
      %get3A_165 = vector.shape_cast %get3A_164 : vector<16xi32> to vector<16xi32>
      %add3A_166 = arith.addi %mul3A_162, %get3A_165 : vector<16xi32>
      %mul3A_167 = arith.constant 2 : i32
      %mul3A_168 = vector.broadcast %mul3A_167 : i32 to vector<16xi32>
      %mul3A_169 = arith.muli %add3A_166, %mul3A_168 : vector<16xi32>
      %get3A_170 = arith.index_cast %add3A_156 : i32 to index
      %get3A_171 = tpu.vector_load %arg10[%get3A_170] {strides = array<i32>} : memref<10240xi32, #tpu.memory_space<vmem>>, vector<16xi32>,
      %get3A_172 = vector.shape_cast %get3A_171 : vector<16xi32> to vector<16xi32>
      %add3A_173 = arith.addi %mul3A_169, %get3A_172 : vector<16xi32>
      %swap3A_174 = arith.index_cast %scan3A_76 : i32 to index
      %swap3A_175 = arith.constant 48 : index
      %swap3A_176 = tpu.vector_load %arg11[%swap3A_174, %swap3A_175] {strides = array<i32>} : memref<80x128xi32, #tpu.memory_space<vmem>>, vector<1x16xi32>,
      %swap3A_177 = vector.shape_cast %swap3A_176 : vector<1x16xi32> to vector<16xi32>
      %swap3A_178 = vector.shape_cast %add3A_173 : vector<16xi32> to vector<1x16xi32>
      tpu.vector_store %arg11[%swap3A_174, %swap3A_175], %swap3A_178 {strides = array<i32>} : memref<80x128xi32, #tpu.memory_space<vmem>>, vector<1x16xi32>,
      %mul3A_179 = arith.constant 128 : i32
      %mul3A_180 = arith.muli %scan3A_76, %mul3A_179 : i32
      %add3A_181 = arith.constant 64 : i32
      %add3A_182 = arith.addi %mul3A_180, %add3A_181 : i32
      %get3A_183 = arith.index_cast %add3A_182 : i32 to index
      %get3A_184 = tpu.vector_load %arg8[%get3A_183] {strides = array<i32>} : memref<10240xi32, #tpu.memory_space<vmem>>, vector<16xi32>,
      %get3A_185 = vector.shape_cast %get3A_184 : vector<16xi32> to vector<16xi32>
      %mul3A_186 = arith.constant 6 : i32
      %mul3A_187 = vector.broadcast %mul3A_186 : i32 to vector<16xi32>
      %mul3A_188 = arith.muli %get3A_185, %mul3A_187 : vector<16xi32>
      %get3A_189 = arith.index_cast %add3A_182 : i32 to index
      %get3A_190 = tpu.vector_load %arg9[%get3A_189] {strides = array<i32>} : memref<10240xi32, #tpu.memory_space<vmem>>, vector<16xi32>,
      %get3A_191 = vector.shape_cast %get3A_190 : vector<16xi32> to vector<16xi32>
      %add3A_192 = arith.addi %mul3A_188, %get3A_191 : vector<16xi32>
      %mul3A_193 = arith.constant 2 : i32
      %mul3A_194 = vector.broadcast %mul3A_193 : i32 to vector<16xi32>
      %mul3A_195 = arith.muli %add3A_192, %mul3A_194 : vector<16xi32>
      %get3A_196 = arith.index_cast %add3A_182 : i32 to index
      %get3A_197 = tpu.vector_load %arg10[%get3A_196] {strides = array<i32>} : memref<10240xi32, #tpu.memory_space<vmem>>, vector<16xi32>,
      %get3A_198 = vector.shape_cast %get3A_197 : vector<16xi32> to vector<16xi32>
      %add3A_199 = arith.addi %mul3A_195, %get3A_198 : vector<16xi32>
      %swap3A_200 = arith.index_cast %scan3A_76 : i32 to index
      %swap3A_201 = arith.constant 64 : index
      %swap3A_202 = tpu.vector_load %arg11[%swap3A_200, %swap3A_201] {strides = array<i32>} : memref<80x128xi32, #tpu.memory_space<vmem>>, vector<1x16xi32>,
      %swap3A_203 = vector.shape_cast %swap3A_202 : vector<1x16xi32> to vector<16xi32>
      %swap3A_204 = vector.shape_cast %add3A_199 : vector<16xi32> to vector<1x16xi32>
      tpu.vector_store %arg11[%swap3A_200, %swap3A_201], %swap3A_204 {strides = array<i32>} : memref<80x128xi32, #tpu.memory_space<vmem>>, vector<1x16xi32>,
      %mul3A_205 = arith.constant 128 : i32
      %mul3A_206 = arith.muli %scan3A_76, %mul3A_205 : i32
      %add3A_207 = arith.constant 80 : i32
      %add3A_208 = arith.addi %mul3A_206, %add3A_207 : i32
      %get3A_209 = arith.index_cast %add3A_208 : i32 to index
      %get3A_210 = tpu.vector_load %arg8[%get3A_209] {strides = array<i32>} : memref<10240xi32, #tpu.memory_space<vmem>>, vector<16xi32>,
      %get3A_211 = vector.shape_cast %get3A_210 : vector<16xi32> to vector<16xi32>
      %mul3A_212 = arith.constant 6 : i32
      %mul3A_213 = vector.broadcast %mul3A_212 : i32 to vector<16xi32>
      %mul3A_214 = arith.muli %get3A_211, %mul3A_213 : vector<16xi32>
      %get3A_215 = arith.index_cast %add3A_208 : i32 to index
      %get3A_216 = tpu.vector_load %arg9[%get3A_215] {strides = array<i32>} : memref<10240xi32, #tpu.memory_space<vmem>>, vector<16xi32>,
      %get3A_217 = vector.shape_cast %get3A_216 : vector<16xi32> to vector<16xi32>
      %add3A_218 = arith.addi %mul3A_214, %get3A_217 : vector<16xi32>
      %mul3A_219 = arith.constant 2 : i32
      %mul3A_220 = vector.broadcast %mul3A_219 : i32 to vector<16xi32>
      %mul3A_221 = arith.muli %add3A_218, %mul3A_220 : vector<16xi32>
      %get3A_222 = arith.index_cast %add3A_208 : i32 to index
      %get3A_223 = tpu.vector_load %arg10[%get3A_222] {strides = array<i32>} : memref<10240xi32, #tpu.memory_space<vmem>>, vector<16xi32>,
      %get3A_224 = vector.shape_cast %get3A_223 : vector<16xi32> to vector<16xi32>
      %add3A_225 = arith.addi %mul3A_221, %get3A_224 : vector<16xi32>
      %swap3A_226 = arith.index_cast %scan3A_76 : i32 to index
      %swap3A_227 = arith.constant 80 : index
      %swap3A_228 = tpu.vector_load %arg11[%swap3A_226, %swap3A_227] {strides = array<i32>} : memref<80x128xi32, #tpu.memory_space<vmem>>, vector<1x16xi32>,
      %swap3A_229 = vector.shape_cast %swap3A_228 : vector<1x16xi32> to vector<16xi32>
      %swap3A_230 = vector.shape_cast %add3A_225 : vector<16xi32> to vector<1x16xi32>
      tpu.vector_store %arg11[%swap3A_226, %swap3A_227], %swap3A_230 {strides = array<i32>} : memref<80x128xi32, #tpu.memory_space<vmem>>, vector<1x16xi32>,
      %mul3A_231 = arith.constant 128 : i32
      %mul3A_232 = arith.muli %scan3A_76, %mul3A_231 : i32
      %add3A_233 = arith.constant 96 : i32
      %add3A_234 = arith.addi %mul3A_232, %add3A_233 : i32
      %get3A_235 = arith.index_cast %add3A_234 : i32 to index
      %get3A_236 = tpu.vector_load %arg8[%get3A_235] {strides = array<i32>} : memref<10240xi32, #tpu.memory_space<vmem>>, vector<16xi32>,
      %get3A_237 = vector.shape_cast %get3A_236 : vector<16xi32> to vector<16xi32>
      %mul3A_238 = arith.constant 6 : i32
      %mul3A_239 = vector.broadcast %mul3A_238 : i32 to vector<16xi32>
      %mul3A_240 = arith.muli %get3A_237, %mul3A_239 : vector<16xi32>
      %get3A_241 = arith.index_cast %add3A_234 : i32 to index
      %get3A_242 = tpu.vector_load %arg9[%get3A_241] {strides = array<i32>} : memref<10240xi32, #tpu.memory_space<vmem>>, vector<16xi32>,
      %get3A_243 = vector.shape_cast %get3A_242 : vector<16xi32> to vector<16xi32>
      %add3A_244 = arith.addi %mul3A_240, %get3A_243 : vector<16xi32>
      %mul3A_245 = arith.constant 2 : i32
      %mul3A_246 = vector.broadcast %mul3A_245 : i32 to vector<16xi32>
      %mul3A_247 = arith.muli %add3A_244, %mul3A_246 : vector<16xi32>
      %get3A_248 = arith.index_cast %add3A_234 : i32 to index
      %get3A_249 = tpu.vector_load %arg10[%get3A_248] {strides = array<i32>} : memref<10240xi32, #tpu.memory_space<vmem>>, vector<16xi32>,
      %get3A_250 = vector.shape_cast %get3A_249 : vector<16xi32> to vector<16xi32>
      %add3A_251 = arith.addi %mul3A_247, %get3A_250 : vector<16xi32>
      %swap3A_252 = arith.index_cast %scan3A_76 : i32 to index
      %swap3A_253 = arith.constant 96 : index
      %swap3A_254 = tpu.vector_load %arg11[%swap3A_252, %swap3A_253] {strides = array<i32>} : memref<80x128xi32, #tpu.memory_space<vmem>>, vector<1x16xi32>,
      %swap3A_255 = vector.shape_cast %swap3A_254 : vector<1x16xi32> to vector<16xi32>
      %swap3A_256 = vector.shape_cast %add3A_251 : vector<16xi32> to vector<1x16xi32>
      tpu.vector_store %arg11[%swap3A_252, %swap3A_253], %swap3A_256 {strides = array<i32>} : memref<80x128xi32, #tpu.memory_space<vmem>>, vector<1x16xi32>,
      %mul3A_257 = arith.constant 128 : i32
      %mul3A_258 = arith.muli %scan3A_76, %mul3A_257 : i32
      %add3A_259 = arith.constant 112 : i32
      %add3A_260 = arith.addi %mul3A_258, %add3A_259 : i32
      %get3A_261 = arith.index_cast %add3A_260 : i32 to index
      %get3A_262 = tpu.vector_load %arg8[%get3A_261] {strides = array<i32>} : memref<10240xi32, #tpu.memory_space<vmem>>, vector<16xi32>,
      %get3A_263 = vector.shape_cast %get3A_262 : vector<16xi32> to vector<16xi32>
      %mul3A_264 = arith.constant 6 : i32
      %mul3A_265 = vector.broadcast %mul3A_264 : i32 to vector<16xi32>
      %mul3A_266 = arith.muli %get3A_263, %mul3A_265 : vector<16xi32>
      %get3A_267 = arith.index_cast %add3A_260 : i32 to index
      %get3A_268 = tpu.vector_load %arg9[%get3A_267] {strides = array<i32>} : memref<10240xi32, #tpu.memory_space<vmem>>, vector<16xi32>,
      %get3A_269 = vector.shape_cast %get3A_268 : vector<16xi32> to vector<16xi32>
      %add3A_270 = arith.addi %mul3A_266, %get3A_269 : vector<16xi32>
      %mul3A_271 = arith.constant 2 : i32
      %mul3A_272 = vector.broadcast %mul3A_271 : i32 to vector<16xi32>
      %mul3A_273 = arith.muli %add3A_270, %mul3A_272 : vector<16xi32>
      %get3A_274 = arith.index_cast %add3A_260 : i32 to index
      %get3A_275 = tpu.vector_load %arg10[%get3A_274] {strides = array<i32>} : memref<10240xi32, #tpu.memory_space<vmem>>, vector<16xi32>,
      %get3A_276 = vector.shape_cast %get3A_275 : vector<16xi32> to vector<16xi32>
      %add3A_277 = arith.addi %mul3A_273, %get3A_276 : vector<16xi32>
      %swap3A_278 = arith.index_cast %scan3A_76 : i32 to index
      %swap3A_279 = arith.constant 112 : index
      %swap3A_280 = tpu.vector_load %arg11[%swap3A_278, %swap3A_279] {strides = array<i32>} : memref<80x128xi32, #tpu.memory_space<vmem>>, vector<1x16xi32>,
      %swap3A_281 = vector.shape_cast %swap3A_280 : vector<1x16xi32> to vector<16xi32>
      %swap3A_282 = vector.shape_cast %add3A_277 : vector<16xi32> to vector<1x16xi32>
      tpu.vector_store %arg11[%swap3A_278, %swap3A_279], %swap3A_282 {strides = array<i32>} : memref<80x128xi32, #tpu.memory_space<vmem>>, vector<1x16xi32>,
    }
    %scan3A_37 = arith.constant 80 : i32
    %barrier3A = arith.constant 0 : index
    tpu.barrier barrier_id(%barrier3A)
    %dma_start3A_38 = arith.constant 0 : i32
    %dma_start3A_39 = arith.constant 0 : i32
    %dma_start3A_40 = arith.constant 0 : i32
    %dma_start3A_41 = tpu.memref_slice %arg12[%dma_start3A_39, %dma_start3A_40] : memref<256x128xf32, #tpu.memory_space<vmem>> -> memref<128x128xf32, #tpu.memory_space<vmem>>
    %dma_start3A_42 = arith.constant 0 : i32
    %dma_start3A_43 = tpu.memref_slice %arg11[%dma_start3A_38, %dma_start3A_42] : memref<80x128xi32, #tpu.memory_space<vmem>> -> memref<1x128xi32, #tpu.memory_space<vmem>>
    %dma_start3A_44 = tpu.memref_squeeze %dma_start3A_43 : memref<1x128xi32, #tpu.memory_space<vmem>> -> memref<128xi32, #tpu.memory_space<vmem>>
    %dma_start3A_45 = arith.constant 0 : i32
    %dma_start3A_46 = arith.constant 0 : i32
    %dma_start3A_47 = tpu.memref_slice %arg7[%dma_start3A_45, %dma_start3A_46] : memref<288x128xf32, #tpu.memory_space<vmem_shared>> -> memref<288x128xf32, #tpu.memory_space<vmem_shared>>
    tpu.enqueue_indirect_dma source(%dma_start3A_47 : memref<288x128xf32, #tpu.memory_space<vmem_shared>>) target(%dma_start3A_41 : memref<128x128xf32, #tpu.memory_space<vmem>>) offsets(%dma_start3A_44 : memref<128xi32, #tpu.memory_space<vmem>>) semaphore(%arg14 : memref<!tpu.dma_semaphore, #tpu.memory_space<semaphore_mem>>)
    %dma_start3A_48 = arith.constant 1 : i32
    %dma_start3A_49 = arith.constant 128 : i32
    %dma_start3A_50 = arith.constant 0 : i32
    %dma_start3A_51 = tpu.memref_slice %arg12[%dma_start3A_49, %dma_start3A_50] : memref<256x128xf32, #tpu.memory_space<vmem>> -> memref<128x128xf32, #tpu.memory_space<vmem>>
    %dma_start3A_52 = arith.constant 0 : i32
    %dma_start3A_53 = tpu.memref_slice %arg11[%dma_start3A_48, %dma_start3A_52] : memref<80x128xi32, #tpu.memory_space<vmem>> -> memref<1x128xi32, #tpu.memory_space<vmem>>
    %dma_start3A_54 = tpu.memref_squeeze %dma_start3A_53 : memref<1x128xi32, #tpu.memory_space<vmem>> -> memref<128xi32, #tpu.memory_space<vmem>>
    %dma_start3A_55 = arith.constant 0 : i32
    %dma_start3A_56 = arith.constant 0 : i32
    %dma_start3A_57 = tpu.memref_slice %arg7[%dma_start3A_55, %dma_start3A_56] : memref<288x128xf32, #tpu.memory_space<vmem_shared>> -> memref<288x128xf32, #tpu.memory_space<vmem_shared>>
    tpu.enqueue_indirect_dma source(%dma_start3A_57 : memref<288x128xf32, #tpu.memory_space<vmem_shared>>) target(%dma_start3A_51 : memref<128x128xf32, #tpu.memory_space<vmem>>) offsets(%dma_start3A_54 : memref<128xi32, #tpu.memory_space<vmem>>) semaphore(%arg14 : memref<!tpu.dma_semaphore, #tpu.memory_space<semaphore_mem>>)
    %scan3A_58 = arith.constant 0 : i32
    %scan3A_59 = arith.constant 0 : i32
    %scan3A_60 = arith.constant 20 : i32
    %scan3A_61 = arith.addi %scan3A_59, %scan3A_60 : i32
    %scan3A_62 = arith.constant 1 : i32
    scf.for %scan3A_76 = %scan3A_59 to %scan3A_61 step %scan3A_62  : i32 {
      %mul3A_77 = arith.constant 2 : i32
      %mul3A_78 = arith.muli %mul3A_77, %scan3A_76 : i32
      %add3A_79 = arith.constant 1 : i32
      %add3A_80 = arith.addi %mul3A_78, %add3A_79 : i32
      %gt3A = arith.constant 0 : i32
      %gt3A_81 = arith.cmpi sgt, %scan3A_76, %gt3A : i32
      %convert_element_type3A_82 = arith.extui %gt3A_81 : i1 to i32
      %cond3A_83 = arith.constant 0 : i32
      %cond3A_84 = arith.cmpi ne, %convert_element_type3A_82, %cond3A_83 : i32
      scf.if %cond3A_84 {
        %sub3A_175 = arith.constant 2 : i32
        %sub3A_176 = arith.subi %add3A_80, %sub3A_175 : i32
        %mul3A_177 = arith.constant 256 : i32
        %mul3A_178 = arith.muli %sub3A_176, %mul3A_177 : i32
        %add3A_179 = arith.addi %mul3A_20, %mul3A_178 : i32
        %dma_wait3A_180 = arith.constant 0 : i32
        %dma_wait3A_181 = tpu.memref_slice %arg6[%add3A_179, %dma_wait3A_180] : memref<320000x128xf32, #tpu.memory_space<hbm>> -> memref<256x128xf32, #tpu.memory_space<hbm>>
        %dma_wait3A_182 = arith.constant 0 : i32
        %dma_wait3A_183 = tpu.memref_slice %arg6[%add3A_179, %dma_wait3A_182] : memref<320000x128xf32, #tpu.memory_space<hbm>> -> memref<256x128xf32, #tpu.memory_space<hbm>>
        tpu.wait_dma2 semaphore(%arg17 : memref<!tpu.dma_semaphore, #tpu.memory_space<semaphore_mem>>) src(%arg13 : memref<256x128xf32, #tpu.memory_space<vmem>>) dst(%dma_wait3A_183 : memref<256x128xf32, #tpu.memory_space<hbm>>)
      } else {
      }
      %mul3A_85 = arith.constant 2 : i32
      %mul3A_86 = arith.muli %mul3A_85, %add3A_80 : i32
      %dma_start3A_87 = arith.constant 0 : i32
      %dma_start3A_88 = arith.constant 0 : i32
      %dma_start3A_89 = tpu.memref_slice %arg13[%dma_start3A_87, %dma_start3A_88] : memref<256x128xf32, #tpu.memory_space<vmem>> -> memref<128x128xf32, #tpu.memory_space<vmem>>
      %dma_start3A_90 = arith.constant 0 : i32
      %dma_start3A_91 = tpu.memref_slice %arg11[%mul3A_86, %dma_start3A_90] : memref<80x128xi32, #tpu.memory_space<vmem>> -> memref<1x128xi32, #tpu.memory_space<vmem>>
      %dma_start3A_92 = tpu.memref_squeeze %dma_start3A_91 : memref<1x128xi32, #tpu.memory_space<vmem>> -> memref<128xi32, #tpu.memory_space<vmem>>
      %dma_start3A_93 = arith.constant 0 : i32
      %dma_start3A_94 = arith.constant 0 : i32
      %dma_start3A_95 = tpu.memref_slice %arg7[%dma_start3A_93, %dma_start3A_94] : memref<288x128xf32, #tpu.memory_space<vmem_shared>> -> memref<288x128xf32, #tpu.memory_space<vmem_shared>>
      tpu.enqueue_indirect_dma source(%dma_start3A_95 : memref<288x128xf32, #tpu.memory_space<vmem_shared>>) target(%dma_start3A_89 : memref<128x128xf32, #tpu.memory_space<vmem>>) offsets(%dma_start3A_92 : memref<128xi32, #tpu.memory_space<vmem>>) semaphore(%arg15 : memref<!tpu.dma_semaphore, #tpu.memory_space<semaphore_mem>>)
      %mul3A_96 = arith.constant 2 : i32
      %mul3A_97 = arith.muli %mul3A_96, %add3A_80 : i32
      %add3A_98 = arith.constant 1 : i32
      %add3A_99 = arith.addi %mul3A_97, %add3A_98 : i32
      %dma_start3A_100 = arith.constant 128 : i32
      %dma_start3A_101 = arith.constant 0 : i32
      %dma_start3A_102 = tpu.memref_slice %arg13[%dma_start3A_100, %dma_start3A_101] : memref<256x128xf32, #tpu.memory_space<vmem>> -> memref<128x128xf32, #tpu.memory_space<vmem>>
      %dma_start3A_103 = arith.constant 0 : i32
      %dma_start3A_104 = tpu.memref_slice %arg11[%add3A_99, %dma_start3A_103] : memref<80x128xi32, #tpu.memory_space<vmem>> -> memref<1x128xi32, #tpu.memory_space<vmem>>
      %dma_start3A_105 = tpu.memref_squeeze %dma_start3A_104 : memref<1x128xi32, #tpu.memory_space<vmem>> -> memref<128xi32, #tpu.memory_space<vmem>>
      %dma_start3A_106 = arith.constant 0 : i32
      %dma_start3A_107 = arith.constant 0 : i32
      %dma_start3A_108 = tpu.memref_slice %arg7[%dma_start3A_106, %dma_start3A_107] : memref<288x128xf32, #tpu.memory_space<vmem_shared>> -> memref<288x128xf32, #tpu.memory_space<vmem_shared>>
      tpu.enqueue_indirect_dma source(%dma_start3A_108 : memref<288x128xf32, #tpu.memory_space<vmem_shared>>) target(%dma_start3A_102 : memref<128x128xf32, #tpu.memory_space<vmem>>) offsets(%dma_start3A_105 : memref<128xi32, #tpu.memory_space<vmem>>) semaphore(%arg15 : memref<!tpu.dma_semaphore, #tpu.memory_space<semaphore_mem>>)
      %mul3A_109 = arith.constant 2 : i32
      %mul3A_110 = arith.muli %mul3A_109, %mul3A_78 : i32
      %dma_wait3A_111 = arith.constant 0 : i32
      %dma_wait3A_112 = arith.constant 0 : i32
      %dma_wait3A_113 = tpu.memref_slice %arg12[%dma_wait3A_111, %dma_wait3A_112] : memref<256x128xf32, #tpu.memory_space<vmem>> -> memref<128x128xf32, #tpu.memory_space<vmem>>
      %dma_wait3A_114 = arith.constant 0 : i32
      %dma_wait3A_115 = tpu.memref_slice %arg11[%mul3A_110, %dma_wait3A_114] : memref<80x128xi32, #tpu.memory_space<vmem>> -> memref<1x128xi32, #tpu.memory_space<vmem>>
      %dma_wait3A_116 = tpu.memref_squeeze %dma_wait3A_115 : memref<1x128xi32, #tpu.memory_space<vmem>> -> memref<128xi32, #tpu.memory_space<vmem>>
      %dma_wait3A_117 = arith.constant 0 : i32
      %dma_wait3A_118 = arith.constant 0 : i32
      %dma_wait3A_119 = tpu.memref_slice %arg7[%dma_wait3A_117, %dma_wait3A_118] : memref<288x128xf32, #tpu.memory_space<vmem_shared>> -> memref<288x128xf32, #tpu.memory_space<vmem_shared>>
      tpu.wait_indirect_dma semaphore(%arg14 : memref<!tpu.dma_semaphore, #tpu.memory_space<semaphore_mem>>) src(%dma_wait3A_119 : memref<288x128xf32, #tpu.memory_space<vmem_shared>>) dst(%dma_wait3A_113 : memref<128x128xf32, #tpu.memory_space<vmem>>)
      %mul3A_120 = arith.constant 2 : i32
      %mul3A_121 = arith.muli %mul3A_120, %mul3A_78 : i32
      %add3A_122 = arith.constant 1 : i32
      %add3A_123 = arith.addi %mul3A_121, %add3A_122 : i32
      %dma_wait3A_124 = arith.constant 128 : i32
      %dma_wait3A_125 = arith.constant 0 : i32
      %dma_wait3A_126 = tpu.memref_slice %arg12[%dma_wait3A_124, %dma_wait3A_125] : memref<256x128xf32, #tpu.memory_space<vmem>> -> memref<128x128xf32, #tpu.memory_space<vmem>>
      %dma_wait3A_127 = arith.constant 0 : i32
      %dma_wait3A_128 = tpu.memref_slice %arg11[%add3A_123, %dma_wait3A_127] : memref<80x128xi32, #tpu.memory_space<vmem>> -> memref<1x128xi32, #tpu.memory_space<vmem>>
      %dma_wait3A_129 = tpu.memref_squeeze %dma_wait3A_128 : memref<1x128xi32, #tpu.memory_space<vmem>> -> memref<128xi32, #tpu.memory_space<vmem>>
      %dma_wait3A_130 = arith.constant 0 : i32
      %dma_wait3A_131 = arith.constant 0 : i32
      %dma_wait3A_132 = tpu.memref_slice %arg7[%dma_wait3A_130, %dma_wait3A_131] : memref<288x128xf32, #tpu.memory_space<vmem_shared>> -> memref<288x128xf32, #tpu.memory_space<vmem_shared>>
      tpu.wait_indirect_dma semaphore(%arg14 : memref<!tpu.dma_semaphore, #tpu.memory_space<semaphore_mem>>) src(%dma_wait3A_132 : memref<288x128xf32, #tpu.memory_space<vmem_shared>>) dst(%dma_wait3A_126 : memref<128x128xf32, #tpu.memory_space<vmem>>)
      %mul3A_133 = arith.constant 256 : i32
      %mul3A_134 = arith.muli %mul3A_78, %mul3A_133 : i32
      %add3A_135 = arith.addi %mul3A_20, %mul3A_134 : i32
      %dma_start3A_136 = arith.constant 0 : i32
      %dma_start3A_137 = tpu.memref_slice %arg6[%add3A_135, %dma_start3A_136] : memref<320000x128xf32, #tpu.memory_space<hbm>> -> memref<256x128xf32, #tpu.memory_space<hbm>>
      %dma_start3A_138 = arith.constant 0 : i32
      %dma_start3A_139 = tpu.memref_slice %arg6[%add3A_135, %dma_start3A_138] : memref<320000x128xf32, #tpu.memory_space<hbm>> -> memref<256x128xf32, #tpu.memory_space<hbm>>
      tpu.enqueue_dma source(%arg12 : memref<256x128xf32, #tpu.memory_space<vmem>>) target(%dma_start3A_139 : memref<256x128xf32, #tpu.memory_space<hbm>>) target_semaphore(%arg16 : memref<!tpu.dma_semaphore, #tpu.memory_space<semaphore_mem>>)
      %lt3A = arith.constant 19 : i32
      %lt3A_140 = arith.cmpi slt, %scan3A_76, %lt3A : i32
      %convert_element_type3A_141 = arith.extui %lt3A_140 : i1 to i32
      %cond3A_142 = arith.constant 0 : i32
      %cond3A_143 = arith.cmpi ne, %convert_element_type3A_141, %cond3A_142 : i32
      scf.if %cond3A_143 {
        %mul3A_175 = arith.constant 256 : i32
        %mul3A_176 = arith.muli %mul3A_78, %mul3A_175 : i32
        %add3A_177 = arith.addi %mul3A_20, %mul3A_176 : i32
        %dma_wait3A_178 = arith.constant 0 : i32
        %dma_wait3A_179 = tpu.memref_slice %arg6[%add3A_177, %dma_wait3A_178] : memref<320000x128xf32, #tpu.memory_space<hbm>> -> memref<256x128xf32, #tpu.memory_space<hbm>>
        %dma_wait3A_180 = arith.constant 0 : i32
        %dma_wait3A_181 = tpu.memref_slice %arg6[%add3A_177, %dma_wait3A_180] : memref<320000x128xf32, #tpu.memory_space<hbm>> -> memref<256x128xf32, #tpu.memory_space<hbm>>
        tpu.wait_dma2 semaphore(%arg16 : memref<!tpu.dma_semaphore, #tpu.memory_space<semaphore_mem>>) src(%arg12 : memref<256x128xf32, #tpu.memory_space<vmem>>) dst(%dma_wait3A_181 : memref<256x128xf32, #tpu.memory_space<hbm>>)
        %add3A_182 = arith.constant 2 : i32
        %add3A_183 = arith.addi %mul3A_78, %add3A_182 : i32
        %mul3A_184 = arith.constant 2 : i32
        %mul3A_185 = arith.muli %mul3A_184, %add3A_183 : i32
        %dma_start3A_186 = arith.constant 0 : i32
        %dma_start3A_187 = arith.constant 0 : i32
        %dma_start3A_188 = tpu.memref_slice %arg12[%dma_start3A_186, %dma_start3A_187] : memref<256x128xf32, #tpu.memory_space<vmem>> -> memref<128x128xf32, #tpu.memory_space<vmem>>
        %dma_start3A_189 = arith.constant 0 : i32
        %dma_start3A_190 = tpu.memref_slice %arg11[%mul3A_185, %dma_start3A_189] : memref<80x128xi32, #tpu.memory_space<vmem>> -> memref<1x128xi32, #tpu.memory_space<vmem>>
        %dma_start3A_191 = tpu.memref_squeeze %dma_start3A_190 : memref<1x128xi32, #tpu.memory_space<vmem>> -> memref<128xi32, #tpu.memory_space<vmem>>
        %dma_start3A_192 = arith.constant 0 : i32
        %dma_start3A_193 = arith.constant 0 : i32
        %dma_start3A_194 = tpu.memref_slice %arg7[%dma_start3A_192, %dma_start3A_193] : memref<288x128xf32, #tpu.memory_space<vmem_shared>> -> memref<288x128xf32, #tpu.memory_space<vmem_shared>>
        tpu.enqueue_indirect_dma source(%dma_start3A_194 : memref<288x128xf32, #tpu.memory_space<vmem_shared>>) target(%dma_start3A_188 : memref<128x128xf32, #tpu.memory_space<vmem>>) offsets(%dma_start3A_191 : memref<128xi32, #tpu.memory_space<vmem>>) semaphore(%arg14 : memref<!tpu.dma_semaphore, #tpu.memory_space<semaphore_mem>>)
        %mul3A_195 = arith.constant 2 : i32
        %mul3A_196 = arith.muli %mul3A_195, %add3A_183 : i32
        %add3A_197 = arith.constant 1 : i32
        %add3A_198 = arith.addi %mul3A_196, %add3A_197 : i32
        %dma_start3A_199 = arith.constant 128 : i32
        %dma_start3A_200 = arith.constant 0 : i32
        %dma_start3A_201 = tpu.memref_slice %arg12[%dma_start3A_199, %dma_start3A_200] : memref<256x128xf32, #tpu.memory_space<vmem>> -> memref<128x128xf32, #tpu.memory_space<vmem>>
        %dma_start3A_202 = arith.constant 0 : i32
        %dma_start3A_203 = tpu.memref_slice %arg11[%add3A_198, %dma_start3A_202] : memref<80x128xi32, #tpu.memory_space<vmem>> -> memref<1x128xi32, #tpu.memory_space<vmem>>
        %dma_start3A_204 = tpu.memref_squeeze %dma_start3A_203 : memref<1x128xi32, #tpu.memory_space<vmem>> -> memref<128xi32, #tpu.memory_space<vmem>>
        %dma_start3A_205 = arith.constant 0 : i32
        %dma_start3A_206 = arith.constant 0 : i32
        %dma_start3A_207 = tpu.memref_slice %arg7[%dma_start3A_205, %dma_start3A_206] : memref<288x128xf32, #tpu.memory_space<vmem_shared>> -> memref<288x128xf32, #tpu.memory_space<vmem_shared>>
        tpu.enqueue_indirect_dma source(%dma_start3A_207 : memref<288x128xf32, #tpu.memory_space<vmem_shared>>) target(%dma_start3A_201 : memref<128x128xf32, #tpu.memory_space<vmem>>) offsets(%dma_start3A_204 : memref<128xi32, #tpu.memory_space<vmem>>) semaphore(%arg14 : memref<!tpu.dma_semaphore, #tpu.memory_space<semaphore_mem>>)
      } else {
      }
      %mul3A_144 = arith.constant 2 : i32
      %mul3A_145 = arith.muli %mul3A_144, %add3A_80 : i32
      %dma_wait3A_146 = arith.constant 0 : i32
      %dma_wait3A_147 = arith.constant 0 : i32
      %dma_wait3A_148 = tpu.memref_slice %arg13[%dma_wait3A_146, %dma_wait3A_147] : memref<256x128xf32, #tpu.memory_space<vmem>> -> memref<128x128xf32, #tpu.memory_space<vmem>>
      %dma_wait3A_149 = arith.constant 0 : i32
      %dma_wait3A_150 = tpu.memref_slice %arg11[%mul3A_145, %dma_wait3A_149] : memref<80x128xi32, #tpu.memory_space<vmem>> -> memref<1x128xi32, #tpu.memory_space<vmem>>
      %dma_wait3A_151 = tpu.memref_squeeze %dma_wait3A_150 : memref<1x128xi32, #tpu.memory_space<vmem>> -> memref<128xi32, #tpu.memory_space<vmem>>
      %dma_wait3A_152 = arith.constant 0 : i32
      %dma_wait3A_153 = arith.constant 0 : i32
      %dma_wait3A_154 = tpu.memref_slice %arg7[%dma_wait3A_152, %dma_wait3A_153] : memref<288x128xf32, #tpu.memory_space<vmem_shared>> -> memref<288x128xf32, #tpu.memory_space<vmem_shared>>
      tpu.wait_indirect_dma semaphore(%arg15 : memref<!tpu.dma_semaphore, #tpu.memory_space<semaphore_mem>>) src(%dma_wait3A_154 : memref<288x128xf32, #tpu.memory_space<vmem_shared>>) dst(%dma_wait3A_148 : memref<128x128xf32, #tpu.memory_space<vmem>>)
      %mul3A_155 = arith.constant 2 : i32
      %mul3A_156 = arith.muli %mul3A_155, %add3A_80 : i32
      %add3A_157 = arith.constant 1 : i32
      %add3A_158 = arith.addi %mul3A_156, %add3A_157 : i32
      %dma_wait3A_159 = arith.constant 128 : i32
      %dma_wait3A_160 = arith.constant 0 : i32
      %dma_wait3A_161 = tpu.memref_slice %arg13[%dma_wait3A_159, %dma_wait3A_160] : memref<256x128xf32, #tpu.memory_space<vmem>> -> memref<128x128xf32, #tpu.memory_space<vmem>>
      %dma_wait3A_162 = arith.constant 0 : i32
      %dma_wait3A_163 = tpu.memref_slice %arg11[%add3A_158, %dma_wait3A_162] : memref<80x128xi32, #tpu.memory_space<vmem>> -> memref<1x128xi32, #tpu.memory_space<vmem>>
      %dma_wait3A_164 = tpu.memref_squeeze %dma_wait3A_163 : memref<1x128xi32, #tpu.memory_space<vmem>> -> memref<128xi32, #tpu.memory_space<vmem>>
      %dma_wait3A_165 = arith.constant 0 : i32
      %dma_wait3A_166 = arith.constant 0 : i32
      %dma_wait3A_167 = tpu.memref_slice %arg7[%dma_wait3A_165, %dma_wait3A_166] : memref<288x128xf32, #tpu.memory_space<vmem_shared>> -> memref<288x128xf32, #tpu.memory_space<vmem_shared>>
      tpu.wait_indirect_dma semaphore(%arg15 : memref<!tpu.dma_semaphore, #tpu.memory_space<semaphore_mem>>) src(%dma_wait3A_167 : memref<288x128xf32, #tpu.memory_space<vmem_shared>>) dst(%dma_wait3A_161 : memref<128x128xf32, #tpu.memory_space<vmem>>)
      %mul3A_168 = arith.constant 256 : i32
      %mul3A_169 = arith.muli %add3A_80, %mul3A_168 : i32
      %add3A_170 = arith.addi %mul3A_20, %mul3A_169 : i32
      %dma_start3A_171 = arith.constant 0 : i32
      %dma_start3A_172 = tpu.memref_slice %arg6[%add3A_170, %dma_start3A_171] : memref<320000x128xf32, #tpu.memory_space<hbm>> -> memref<256x128xf32, #tpu.memory_space<hbm>>
      %dma_start3A_173 = arith.constant 0 : i32
      %dma_start3A_174 = tpu.memref_slice %arg6[%add3A_170, %dma_start3A_173] : memref<320000x128xf32, #tpu.memory_space<hbm>> -> memref<256x128xf32, #tpu.memory_space<hbm>>
      tpu.enqueue_dma source(%arg13 : memref<256x128xf32, #tpu.memory_space<vmem>>) target(%dma_start3A_174 : memref<256x128xf32, #tpu.memory_space<hbm>>) target_semaphore(%arg17 : memref<!tpu.dma_semaphore, #tpu.memory_space<semaphore_mem>>)
    }
    %scan3A_63 = arith.constant 20 : i32
    %add3A_64 = arith.constant 9728 : i32
    %add3A_65 = arith.addi %mul3A_20, %add3A_64 : i32
    %dma_wait3A_66 = arith.constant 0 : i32
    %dma_wait3A_67 = tpu.memref_slice %arg6[%add3A_65, %dma_wait3A_66] : memref<320000x128xf32, #tpu.memory_space<hbm>> -> memref<256x128xf32, #tpu.memory_space<hbm>>
    %dma_wait3A_68 = arith.constant 0 : i32
    %dma_wait3A_69 = tpu.memref_slice %arg6[%add3A_65, %dma_wait3A_68] : memref<320000x128xf32, #tpu.memory_space<hbm>> -> memref<256x128xf32, #tpu.memory_space<hbm>>
    tpu.wait_dma2 semaphore(%arg16 : memref<!tpu.dma_semaphore, #tpu.memory_space<semaphore_mem>>) src(%arg12 : memref<256x128xf32, #tpu.memory_space<vmem>>) dst(%dma_wait3A_69 : memref<256x128xf32, #tpu.memory_space<hbm>>)
    %add3A_70 = arith.constant 9984 : i32
    %add3A_71 = arith.addi %mul3A_20, %add3A_70 : i32
    %dma_wait3A_72 = arith.constant 0 : i32
    %dma_wait3A_73 = tpu.memref_slice %arg6[%add3A_71, %dma_wait3A_72] : memref<320000x128xf32, #tpu.memory_space<hbm>> -> memref<256x128xf32, #tpu.memory_space<hbm>>
    %dma_wait3A_74 = arith.constant 0 : i32
    %dma_wait3A_75 = tpu.memref_slice %arg6[%add3A_71, %dma_wait3A_74] : memref<320000x128xf32, #tpu.memory_space<hbm>> -> memref<256x128xf32, #tpu.memory_space<hbm>>
    tpu.wait_dma2 semaphore(%arg17 : memref<!tpu.dma_semaphore, #tpu.memory_space<semaphore_mem>>) src(%arg13 : memref<256x128xf32, #tpu.memory_space<vmem>>) dst(%dma_wait3A_75 : memref<256x128xf32, #tpu.memory_space<hbm>>)
    return
  }
}

module attributes {stable_mosaic.version = 14 : i64} {
  func.func @_table_body(%arg0: memref<24x48xf32, #tpu.memory_space<vmem>>, %arg1: memref<8x48xf32, #tpu.memory_space<vmem>>, %arg2: memref<8x48xf32, #tpu.memory_space<vmem>>, %arg3: memref<48x128xf32, #tpu.memory_space<vmem>>, %arg4: memref<1x128xf32, #tpu.memory_space<vmem>>, %arg5: memref<288x128xf32, #tpu.memory_space<vmem>>) attributes {dimension_semantics = [], scalar_prefetch = 0 : i64, scratch_operands = 0 : i64, tpu.core_type = #tpu.core_type<tc>} {
    %iota3A = tpu.iota {dimensions = array<i32: 0>} : vector<288x1xi32>
    %jit3A = arith.constant 12 : i32
    %div3A = vector.broadcast %jit3A : i32 to vector<288x1xi32>
    %div3A_0 = arith.divsi %iota3A, %div3A : vector<288x1xi32>
    %sign3A = arith.constant 0 : i32
    %sign3A_1 = vector.broadcast %sign3A : i32 to vector<288x1xi32>
    %sign3A_2 = arith.cmpi sgt, %iota3A, %sign3A_1 : vector<288x1xi32>
    %sign3A_3 = arith.extui %sign3A_2 : vector<288x1xi1> to vector<288x1xi32>
    %sign3A_4 = arith.constant 0 : i32
    %sign3A_5 = vector.broadcast %sign3A_4 : i32 to vector<288x1xi32>
    %sign3A_6 = arith.cmpi slt, %iota3A, %sign3A_5 : vector<288x1xi32>
    %sign3A_7 = arith.extui %sign3A_6 : vector<288x1xi1> to vector<288x1xi32>
    %sign3A_8 = arith.subi %sign3A_3, %sign3A_7 : vector<288x1xi32>
    %sign3A_9 = arith.constant 0 : i32
    %sign3A_10 = arith.cmpi sgt, %jit3A, %sign3A_9 : i32
    %sign3A_11 = arith.extui %sign3A_10 : i1 to i32
    %sign3A_12 = arith.constant 0 : i32
    %sign3A_13 = arith.cmpi slt, %jit3A, %sign3A_12 : i32
    %sign3A_14 = arith.extui %sign3A_13 : i1 to i32
    %sign3A_15 = arith.subi %sign3A_11, %sign3A_14 : i32
    %ne3A = vector.broadcast %sign3A_15 : i32 to vector<288x1xi32>
    %ne3A_16 = arith.cmpi ne, %sign3A_8, %ne3A : vector<288x1xi32>
    %rem3A = vector.broadcast %jit3A : i32 to vector<288x1xi32>
    %rem3A_17 = arith.remsi %iota3A, %rem3A : vector<288x1xi32>
    %ne3A_18 = arith.constant 0 : i32
    %ne3A_19 = vector.broadcast %ne3A_18 : i32 to vector<288x1xi32>
    %ne3A_20 = arith.cmpi ne, %rem3A_17, %ne3A_19 : vector<288x1xi32>
    %and3A = arith.andi %ne3A_16, %ne3A_20 : vector<288x1xi1>
    %sub3A = arith.constant 1 : i32
    %sub3A_21 = vector.broadcast %sub3A : i32 to vector<288x1xi32>
    %sub3A_22 = arith.subi %div3A_0, %sub3A_21 : vector<288x1xi32>
    %select_n3A = arith.select %and3A, %sub3A_22, %div3A_0 : vector<288x1xi1>, vector<288x1xi32>
    %jit3A_23 = arith.constant 2 : i32
    %div3A_24 = vector.broadcast %jit3A_23 : i32 to vector<288x1xi32>
    %div3A_25 = arith.divsi %iota3A, %div3A_24 : vector<288x1xi32>
    %sign3A_26 = arith.constant 0 : i32
    %sign3A_27 = vector.broadcast %sign3A_26 : i32 to vector<288x1xi32>
    %sign3A_28 = arith.cmpi sgt, %iota3A, %sign3A_27 : vector<288x1xi32>
    %sign3A_29 = arith.extui %sign3A_28 : vector<288x1xi1> to vector<288x1xi32>
    %sign3A_30 = arith.constant 0 : i32
    %sign3A_31 = vector.broadcast %sign3A_30 : i32 to vector<288x1xi32>
    %sign3A_32 = arith.cmpi slt, %iota3A, %sign3A_31 : vector<288x1xi32>
    %sign3A_33 = arith.extui %sign3A_32 : vector<288x1xi1> to vector<288x1xi32>
    %sign3A_34 = arith.subi %sign3A_29, %sign3A_33 : vector<288x1xi32>
    %sign3A_35 = arith.constant 0 : i32
    %sign3A_36 = arith.cmpi sgt, %jit3A_23, %sign3A_35 : i32
    %sign3A_37 = arith.extui %sign3A_36 : i1 to i32
    %sign3A_38 = arith.constant 0 : i32
    %sign3A_39 = arith.cmpi slt, %jit3A_23, %sign3A_38 : i32
    %sign3A_40 = arith.extui %sign3A_39 : i1 to i32
    %sign3A_41 = arith.subi %sign3A_37, %sign3A_40 : i32
    %ne3A_42 = vector.broadcast %sign3A_41 : i32 to vector<288x1xi32>
    %ne3A_43 = arith.cmpi ne, %sign3A_34, %ne3A_42 : vector<288x1xi32>
    %rem3A_44 = vector.broadcast %jit3A_23 : i32 to vector<288x1xi32>
    %rem3A_45 = arith.remsi %iota3A, %rem3A_44 : vector<288x1xi32>
    %ne3A_46 = arith.constant 0 : i32
    %ne3A_47 = vector.broadcast %ne3A_46 : i32 to vector<288x1xi32>
    %ne3A_48 = arith.cmpi ne, %rem3A_45, %ne3A_47 : vector<288x1xi32>
    %and3A_49 = arith.andi %ne3A_43, %ne3A_48 : vector<288x1xi1>
    %sub3A_50 = arith.constant 1 : i32
    %sub3A_51 = vector.broadcast %sub3A_50 : i32 to vector<288x1xi32>
    %sub3A_52 = arith.subi %div3A_25, %sub3A_51 : vector<288x1xi32>
    %select_n3A_53 = arith.select %and3A_49, %sub3A_52, %div3A_25 : vector<288x1xi1>, vector<288x1xi32>
    %jit3A_54 = arith.constant 6 : i32
    %eq3A = arith.constant 0 : i32
    %eq3A_55 = arith.cmpi eq, %jit3A_54, %eq3A : i32
    %jit3A_56 = arith.constant 1 : i32
    %select_n3A_57 = arith.select %eq3A_55, %jit3A_56, %jit3A_54 : i32
    %rem3A_58 = vector.broadcast %select_n3A_57 : i32 to vector<288x1xi32>
    %rem3A_59 = arith.remsi %select_n3A_53, %rem3A_58 : vector<288x1xi32>
    %ne3A_60 = arith.constant 0 : i32
    %ne3A_61 = vector.broadcast %ne3A_60 : i32 to vector<288x1xi32>
    %ne3A_62 = arith.cmpi ne, %rem3A_59, %ne3A_61 : vector<288x1xi32>
    %lt3A = arith.constant 0 : i32
    %lt3A_63 = vector.broadcast %lt3A : i32 to vector<288x1xi32>
    %lt3A_64 = arith.cmpi slt, %rem3A_59, %lt3A_63 : vector<288x1xi32>
    %lt3A_65 = arith.constant 0 : i32
    %lt3A_66 = arith.cmpi slt, %select_n3A_57, %lt3A_65 : i32
    %ne3A_67 = vector.broadcast %lt3A_66 : i1 to vector<288x1xi1>
    %ne3A_68 = vector.broadcast %ne3A_67 : vector<288x1xi1> to vector<288x1xi1>
    %ne3A_69 = arith.xori %lt3A_64, %ne3A_68 : vector<288x1xi1>
    %and3A_70 = arith.andi %ne3A_69, %ne3A_62 : vector<288x1xi1>
    %add3A = vector.broadcast %select_n3A_57 : i32 to vector<288x1xi32>
    %add3A_71 = arith.addi %rem3A_59, %add3A : vector<288x1xi32>
    %select_n3A_72 = arith.select %and3A_70, %add3A_71, %rem3A_59 : vector<288x1xi1>, vector<288x1xi32>
    %jit3A_73 = arith.constant 2 : i32
    %eq3A_74 = arith.constant 0 : i32
    %eq3A_75 = arith.cmpi eq, %jit3A_73, %eq3A_74 : i32
    %jit3A_76 = arith.constant 1 : i32
    %select_n3A_77 = arith.select %eq3A_75, %jit3A_76, %jit3A_73 : i32
    %rem3A_78 = vector.broadcast %select_n3A_77 : i32 to vector<288x1xi32>
    %rem3A_79 = arith.remsi %iota3A, %rem3A_78 : vector<288x1xi32>
    %ne3A_80 = arith.constant 0 : i32
    %ne3A_81 = vector.broadcast %ne3A_80 : i32 to vector<288x1xi32>
    %ne3A_82 = arith.cmpi ne, %rem3A_79, %ne3A_81 : vector<288x1xi32>
    %lt3A_83 = arith.constant 0 : i32
    %lt3A_84 = vector.broadcast %lt3A_83 : i32 to vector<288x1xi32>
    %lt3A_85 = arith.cmpi slt, %rem3A_79, %lt3A_84 : vector<288x1xi32>
    %lt3A_86 = arith.constant 0 : i32
    %lt3A_87 = arith.cmpi slt, %select_n3A_77, %lt3A_86 : i32
    %ne3A_88 = vector.broadcast %lt3A_87 : i1 to vector<288x1xi1>
    %ne3A_89 = vector.broadcast %ne3A_88 : vector<288x1xi1> to vector<288x1xi1>
    %ne3A_90 = arith.xori %lt3A_85, %ne3A_89 : vector<288x1xi1>
    %and3A_91 = arith.andi %ne3A_90, %ne3A_82 : vector<288x1xi1>
    %add3A_92 = vector.broadcast %select_n3A_77 : i32 to vector<288x1xi32>
    %add3A_93 = arith.addi %rem3A_79, %add3A_92 : vector<288x1xi32>
    %select_n3A_94 = arith.select %and3A_91, %add3A_93, %rem3A_79 : vector<288x1xi1>, vector<288x1xi32>
    %iota3A_95 = tpu.iota {dimensions = array<i32: 1>} : vector<288x24xi32>
    %eq3A_96 = vector.broadcast %select_n3A : vector<288x1xi32> to vector<288x24xi32>
    %eq3A_97 = arith.cmpi eq, %eq3A_96, %iota3A_95 : vector<288x24xi32>
    %convert_element_type3A = arith.extui %eq3A_97 : vector<288x24xi1> to vector<288x24xi32>
    %convert_element_type3A_98 = arith.sitofp %convert_element_type3A : vector<288x24xi32> to vector<288x24xf32>
    %iota3A_99 = tpu.iota {dimensions = array<i32: 1>} : vector<288x8xi32>
    %eq3A_100 = vector.broadcast %select_n3A_72 : vector<288x1xi32> to vector<288x8xi32>
    %eq3A_101 = arith.cmpi eq, %eq3A_100, %iota3A_99 : vector<288x8xi32>
    %convert_element_type3A_102 = arith.extui %eq3A_101 : vector<288x8xi1> to vector<288x8xi32>
    %convert_element_type3A_103 = arith.sitofp %convert_element_type3A_102 : vector<288x8xi32> to vector<288x8xf32>
    %iota3A_104 = tpu.iota {dimensions = array<i32: 1>} : vector<288x8xi32>
    %eq3A_105 = vector.broadcast %select_n3A_94 : vector<288x1xi32> to vector<288x8xi32>
    %eq3A_106 = arith.cmpi eq, %eq3A_105, %iota3A_104 : vector<288x8xi32>
    %convert_element_type3A_107 = arith.extui %eq3A_106 : vector<288x8xi1> to vector<288x8xi32>
    %convert_element_type3A_108 = arith.sitofp %convert_element_type3A_107 : vector<288x8xi32> to vector<288x8xf32>
    %get3A = arith.constant 0 : index
    %get3A_109 = arith.constant 0 : index
    %get3A_110 = vector.load %arg0[%get3A, %get3A_109] : memref<24x48xf32, #tpu.memory_space<vmem>>, vector<24x48xf32>
    %dot_general3A = arith.constant dense<0.000000e+00> : vector<288x48xf32>
    %dot_general3A_111 = tpu.matmul %convert_element_type3A_98, %get3A_110, %dot_general3A {dimension_numbers = #tpu.dot_dimension_numbers<[1], [0], [0], [1], [0, 0, 1, 1], [], []>, precision = #tpu.contract_precision<fp32>, transpose_lhs_hint = false} : vector<288x24xf32>, vector<24x48xf32>, vector<288x48xf32> -> vector<288x48xf32>
    %get3A_112 = arith.constant 0 : index
    %get3A_113 = arith.constant 0 : index
    %get3A_114 = vector.load %arg1[%get3A_112, %get3A_113] : memref<8x48xf32, #tpu.memory_space<vmem>>, vector<8x48xf32>
    %dot_general3A_115 = arith.constant dense<0.000000e+00> : vector<288x48xf32>
    %dot_general3A_116 = tpu.matmul %convert_element_type3A_103, %get3A_114, %dot_general3A_115 {dimension_numbers = #tpu.dot_dimension_numbers<[1], [0], [0], [1], [0, 0, 1, 1], [], []>, precision = #tpu.contract_precision<fp32>, transpose_lhs_hint = false} : vector<288x8xf32>, vector<8x48xf32>, vector<288x48xf32> -> vector<288x48xf32>
    %add3A_117 = arith.addf %dot_general3A_111, %dot_general3A_116 : vector<288x48xf32>
    %get3A_118 = arith.constant 0 : index
    %get3A_119 = arith.constant 0 : index
    %get3A_120 = vector.load %arg2[%get3A_118, %get3A_119] : memref<8x48xf32, #tpu.memory_space<vmem>>, vector<8x48xf32>
    %dot_general3A_121 = arith.constant dense<0.000000e+00> : vector<288x48xf32>
    %dot_general3A_122 = tpu.matmul %convert_element_type3A_108, %get3A_120, %dot_general3A_121 {dimension_numbers = #tpu.dot_dimension_numbers<[1], [0], [0], [1], [0, 0, 1, 1], [], []>, precision = #tpu.contract_precision<fp32>, transpose_lhs_hint = false} : vector<288x8xf32>, vector<8x48xf32>, vector<288x48xf32> -> vector<288x48xf32>
    %add3A_123 = arith.addf %add3A_117, %dot_general3A_122 : vector<288x48xf32>
    %get3A_124 = arith.constant 0 : index
    %get3A_125 = arith.constant 0 : index
    %get3A_126 = vector.load %arg3[%get3A_124, %get3A_125] : memref<48x128xf32, #tpu.memory_space<vmem>>, vector<48x128xf32>
    %dot_general3A_127 = arith.constant dense<0.000000e+00> : vector<288x128xf32>
    %dot_general3A_128 = tpu.matmul %add3A_123, %get3A_126, %dot_general3A_127 {dimension_numbers = #tpu.dot_dimension_numbers<[1], [0], [0], [1], [0, 0, 1, 1], [], []>, precision = #tpu.contract_precision<fp32>, transpose_lhs_hint = false} : vector<288x48xf32>, vector<48x128xf32>, vector<288x128xf32> -> vector<288x128xf32>
    %get3A_129 = arith.constant 0 : index
    %get3A_130 = arith.constant 0 : index
    %get3A_131 = vector.load %arg4[%get3A_129, %get3A_130] : memref<1x128xf32, #tpu.memory_space<vmem>>, vector<1x128xf32>
    %add3A_132 = vector.broadcast %get3A_131 : vector<1x128xf32> to vector<288x128xf32>
    %add3A_133 = arith.addf %dot_general3A_128, %add3A_132 : vector<288x128xf32>
    %mul3A = arith.constant 5.000000e-01 : f32
    %mul3A_134 = vector.broadcast %mul3A : f32 to vector<288x128xf32>
    %mul3A_135 = arith.mulf %mul3A_134, %add3A_133 : vector<288x128xf32>
    %mul3A_136 = arith.constant 0.707106769 : f32
    %mul3A_137 = vector.broadcast %mul3A_136 : f32 to vector<288x128xf32>
    %mul3A_138 = arith.mulf %add3A_133, %mul3A_137 : vector<288x128xf32>
    %erf3A = math.erf %mul3A_138 : vector<288x128xf32>
    %add3A_139 = arith.constant 1.000000e+00 : f32
    %add3A_140 = vector.broadcast %add3A_139 : f32 to vector<288x128xf32>
    %add3A_141 = arith.addf %add3A_140, %erf3A : vector<288x128xf32>
    %mul3A_142 = arith.mulf %mul3A_135, %add3A_141 : vector<288x128xf32>
    %swap3A = arith.constant 0 : index
    %swap3A_143 = arith.constant 0 : index
    %swap3A_144 = vector.load %arg5[%swap3A, %swap3A_143] : memref<288x128xf32, #tpu.memory_space<vmem>>, vector<288x128xf32>
    tpu.vector_store %arg5[%swap3A, %swap3A_143], %mul3A_142 {strides = array<i32>} : memref<288x128xf32, #tpu.memory_space<vmem>>, vector<288x128xf32>,
    return
  }
}

</mosaic_0001>

<sc_bundles>
// kernel: kernel.4.cloned.1.call-start
scs
__scs_entry_jumppad:
0x0: {  	(pc) =	sbr.rel $0x88, $3  }
0x1: {  	(tag) =	ssettag $0x0;
	lr =	simm.s32 $0x1  }
0x2: {  	[smem:$0x3F9B] =	sst lr;
	_ =	strace $0xD0000000  }
0x3: {  	_ = 	snop  }
0x4: {  	_ = 	snop  }
0x5: {  	_ = 	snop  }
0x6: {  	_ = 	snop  }
0x7: {  	_ = 	snop  }
__scs_overlays_trampoline_lowered:
0x8: {  	[smem:$0x3FAA] =	sst s0  }
0x9: {  	[smem:$0x3FAB] =	sst s1  }
0xa: {  	[smem:$0x3FAC] =	sst s2  }
0xb: {  	[smem:$0x3FAD] =	sst s3  }
0xc: {  	[smem:$0x3FAE] =	sst s4  }
0xd: {  	[smem:$0x3FAF] =	sst s5  }
0xe: {  	[smem:$0x3FB0] =	sst s6  }
0xf: {  	[smem:$0x3FB1] =	sst s7  }
0x10: {  	[smem:$0x3FB2] =	sst s8  }
0x11: {  	[smem:$0x3FB3] =	sst s9;
	s0 =	simm.s32 @!p0 $0x0  }
0x12: {  	s1 =	sld [smem:$0x3F99];
	s0 =	simm.s32 @p0 $0x1  }
0x13: {  	[smem:$0x3FB4] =	sst s0;
	s0 =	simm.s32 @!p1 $0x0  }
0x14: {  	s2 =	sld [smem:$0x3F98];
	s0 =	simm.s32 @p1 $0x1  }
0x15: {  	[smem:$0x3FB5] =	sst s0;
	s0 =	simm.s32 @!p2 $0x0  }
0x16: {  	s3 =	sld [smem:$0x3FDB];
	s0 =	simm.s32 @p2 $0x1  }
0x17: {  	s4 =	simm.s32 $0x1BF5;
	[smem:$0x3FB7] =	sst s0  }
0x18: {  	s0 =	sld [smem:$0x3F9A];
	_ =	swait.ge [sflag:s4], $0x0  }
0x19: {  	s7 =	sld [smem:$0x3F9B]  }
0x1a: {  	s8 =	sadd.s32 $0xFFFFE003, lr  }
0x1b: {  	s9 =	sadd.s32 $0xFFFFFEF7, lr;
	s5 =	simm.s32 $0xFFFFFFFF;
	p2 =	slt.u32 s8, $0xFFFFF086  }
0x1c: {  	p1 =	slt.u32 s9, $0xF7A;
	s5 =	simm.s32 @!p2 $0x0  }
0x1d: {  	s5 =	simm.s32 @p1 $0x1;
	p0 =	seq.s32 s7, s2  }
0x1e: {  	s7 =	smul.u32 @!p0 $0xF7A, s2;
	p2 =	seq.s32 @!p0 s5, $0x0  }
0x1f: {  	s9 =	smul.u32 $0xF7A, s1;
	s8 =	simm.s32 @!p0 $0x1BF5;
	p2 =	por !p2, p0  }
0x20: {  	[sflag:s8] =	ssyncset.s32 @!p0 $0xFFFFF086;
	s6 =	sadd.s32 @!p0 s3, s7;
	s7 =	simm.s32 @!p0 $0x108  }
0x21: {  	s3 =	sadd.s32 s3, s9;
	s6 =	sadd.s32 @!p0 $0x88, s6;
	s7 =	simm.s32 @p2 $0x1082  }
0x22: {  	[simem:s7], [sflag:s8] =	dma.local @!p0 [hbm:s6], $0xF7A  }
0x23: {  	s9 =	sor.u32 $0xD0000000, s2;
	s6 =	simm.s32 $0x108;
	_ =	swait.ge @!p0 [sflag:s8], $0x0  }
0x24: {  	s3 =	sadd.s32 $0x88, s3;
	s6 =	simm.s32 @!p1 $0x1082;
	[sflag:s4] =	ssyncset.s32 $0xFFFFF086  }
0x25: {  	[simem:s6], [sflag:s4] =	dma.local [hbm:s3], $0xF7A  }
0x26: {  	[smem:$0x3F9B] =	sst s1;
	(tag) =	ssettag s2;
	_ =	strace s9  }
0x27: {  	s1 =	sld [smem:$0x3FAB]  }
0x28: {  	s2 =	sld [smem:$0x3FAC]  }
0x29: {  	s4 =	sld [smem:$0x3FAE]  }
0x2a: {  	p0 =	seq.s32 s5, $0x0;
	s5 =	sld [smem:$0x3FAF]  }
0x2b: {  	s6 =	sld [smem:$0x3FB0]  }
0x2c: {  	s7 =	sld [smem:$0x3FB1]  }
0x2d: {  	s3 =	simm.s32 $0x108;
	s8 =	sld [smem:$0x3FB2]  }
0x2e: {  	s3 =	simm.s32 @!p0 $0x1082;
	s9 =	sld [smem:$0x3FB3]  }
0x2f: {  	lr =	sadd.s32 s0, s3;
	s0 =	sld [smem:$0x3FAA]  }
0x30: {  	s3 =	sld [smem:$0x3FAD]  }
0x31: {  	[smem:$0x3FB6] =	sst s10  }
0x32: {  	s10 =	sld [smem:$0x3FB4];
	_ =	sdelay $0x3  }
0x33: {  	p0 =	seq.s32 s10, $0x1;
	s10 =	sld [smem:$0x3FB6];
	_ =	sdelay $0x3  }
0x34: {  	[smem:$0x3FB6] =	sst s10  }
0x35: {  	s10 =	sld [smem:$0x3FB5];
	_ =	sdelay $0x3  }
0x36: {  	p1 =	seq.s32 s10, $0x1;
	s10 =	sld [smem:$0x3FB6];
	_ =	sdelay $0x3  }
0x37: {  	[smem:$0x3FB6] =	sst s10  }
0x38: {  	s10 =	sld [smem:$0x3FB7]  }
0x39: {  	_ = 	snop;
	(pc) =	sbr.ind lr, $3  }
0x3a: {  	_ = 	snop  }
0x3b: {  	_ = 	snop  }
0x3c: {  	p2 =	seq.s32 s10, $0x1;
	s10 =	sld [smem:$0x3FB6]  }
0x3d: {  	_ =	shalt  }
0x3e: {  	_ =	shalt  }
0x3f: {  	_ =	shalt  }
0x40: {  	_ =	shalt  }
0x41: {  	_ =	shalt  }
0x42: {  	_ =	shalt  }
0x43: {  	_ =	shalt  }
0x44: {  	_ =	shalt  }
0x45: {  	_ =	shalt  }
0x46: {  	_ =	shalt  }
0x47: {  	_ =	shalt  }
0x48: {  	_ =	shalt  }
0x49: {  	_ =	shalt  }
0x4a: {  	_ =	shalt  }
0x4b: {  	_ =	shalt  }
0x4c: {  	_ =	shalt  }
0x4d: {  	_ =	shalt  }
0x4e: {  	_ =	shalt  }
0x4f: {  	_ =	shalt  }
0x50: {  	_ =	shalt  }
0x51: {  	_ =	shalt  }
0x52: {  	_ =	shalt  }
0x53: {  	_ =	shalt  }
0x54: {  	_ =	shalt  }
0x55: {  	_ =	shalt  }
0x56: {  	_ =	shalt  }
0x57: {  	_ =	shalt  }
0x58: {  	_ =	shalt  }
0x59: {  	_ =	shalt  }
0x5a: {  	_ =	shalt  }
0x5b: {  	_ =	shalt  }
0x5c: {  	_ =	shalt  }
0x5d: {  	_ =	shalt  }
0x5e: {  	_ =	shalt  }
0x5f: {  	_ =	shalt  }
0x60: {  	_ =	shalt  }
0x61: {  	_ =	shalt  }
0x62: {  	_ =	shalt  }
0x63: {  	_ =	shalt  }
0x64: {  	_ =	shalt  }
0x65: {  	_ =	shalt  }
0x66: {  	_ =	shalt  }
0x67: {  	_ =	shalt  }
0x68: {  	_ =	shalt  }
0x69: {  	_ =	shalt  }
0x6a: {  	_ =	shalt  }
0x6b: {  	_ =	shalt  }
0x6c: {  	_ =	shalt  }
0x6d: {  	_ =	shalt  }
0x6e: {  	_ =	shalt  }
0x6f: {  	_ =	shalt  }
0x70: {  	_ =	shalt  }
0x71: {  	_ =	shalt  }
0x72: {  	_ =	shalt  }
0x73: {  	_ =	shalt  }
0x74: {  	_ =	shalt  }
0x75: {  	_ =	shalt  }
0x76: {  	_ =	shalt  }
0x77: {  	_ =	shalt  }
0x78: {  	_ =	shalt  }
0x79: {  	_ =	shalt  }
0x7a: {  	_ =	shalt  }
0x7b: {  	_ =	shalt  }
0x7c: {  	_ =	shalt  }
0x7d: {  	_ =	shalt  }
0x7e: {  	_ =	shalt  }
0x7f: {  	_ =	shalt  }
0x80: {  	_ =	shalt  }
0x81: {  	_ =	shalt  }
0x82: {  	_ =	shalt  }
0x83: {  	_ =	shalt  }
0x84: {  	_ =	shalt  }
0x85: {  	_ =	shalt  }
0x86: {  	_ =	shalt  }
0x87: {  	_ =	shalt  }
.Lfunc_end0:
.L_simem_size_0:
called_computation_lowered:
.L_overlay_start_0:
0x88: {  	s2 =	sld [smem:$0x3FD9]  }
0x89: {  	s3 =	sld [smem:$0x3FFE];
	_ =	sdelay $0x1  }
0x8a: {  	s1 =	srdreg.scid  }
0x8b: {  	s0 =	sand.u32 $0x1, s1  }
0x8c: {  	s17 =	sshll.u32 s0, $0xA;
	s2 =	sadd.s32 s3, s2  }
0x8d: {  	s2 =	sadd.s32 s2, s17  }
0x8e: {  	[smem:$0x3FC2] =	sst s2  }
0x8f: {  	_ = 	snop  }
0x90: {  	s2 =	sld [smem:$0x3FD0];
	(tm) =	ssettm $0x1  }
0x91: {  	s18 =	sld [smem:$0x3FFB];
	_ =	sdelay $0x3  }
0x92: {  	_ =	strace s18  }
0x93: {  	s3 =	sld [smem:$0x3FFC];
	_ =	sdelay $0x3  }
0x94: {  	_ =	strace s3  }
0x95: {  	s3 =	sld [smem:$0x3FFD];
	_ =	sdelay $0x3  }
0x96: {  	_ =	strace s3  }
0x97: {  	_ =	strace $0x8FFFFFFF  }
0x98: {  	s19 =	sld [smem:$0x3FDB];
	_ =	sdelay $0x1  }
0x99: {  	s4 =	simm.s32 $_scs_section_size  }
0x9a: {  	s5 =	simm.s32 $_size__tile_overlayer_lowered;
	s6 =	simm.s32 $_tile_overlayer_lowered  }
0x9b: {  	s22 =	simm.s32 $0x1BFF;
	s21 =	sshll.u32 s6, $0x1;
	s3 =	sadd.s32 s4, s19  }
0x9c: {  	s7 =	simm.s32 $0x0;
	s20 =	sshll.u32 s5, $0x1;
	s5 =	sadd.s32 s21, s3  }
0x9d: {  	[timem:s7], [sflag:s22] =	dma.local [hbm:s5], s20  }
0x9e: {  	_ =	swait.ge [sflag:s22], s20  }
0x9f: {  	s4 =	ssub.s32 $0x0, s20;
	[sflag:s22] =	ssyncset.done $0x0  }
0xa0: {  	[sflag:s22] =	ssyncadd.s32 s4;
	_ =	sdelay $0x1  }
0xa1: {  	s23 =	simm.s32 $0x1B8B  }
0xa2: {  	_ =	swait.ge [sflag:s23], $0x1  }
0xa3: {  	[sflag:s23] =	ssyncset.done $0x0  }
0xa4: {  	s25 =	simm.s32 $0x1B8E;
	s24 =	sld [smem:$0x3FFE];
	[sflag:s23] =	ssyncadd.s32 $0xFFFFFFFF  }
0xa5: {  	s26 =	simm.s32 $execute0_lowered;
	[smem:$0x3FD2] =	sst s25  }
0xa6: {  	s5 =	sshll.u32 s26, $0x1;
	_ =	strace $0x80000046;
	[dreg:$0x1] =	wrdreg $0xFFFFFFFF  }
0xa7: {  	s28 =	simm.s32 $_size_execute0_lowered;
	s3 =	sadd.s32 s3, s5;
	[dreg:$0x0] =	wrdreg $0x0  }
0xa8: {  	s5 =	sshll.u32 s28, $0x1;
	[dreg:$0x2] =	wrdreg s3  }
0xa9: {  	[dreg:$0x3] =	wrdreg s5  }
0xaa: {  	[dreg:$0x4] =	wrdreg $0xC0  }
0xab: {  	_ =	task [dreg:s7], $0x5FFFF  }
0xac: {  	[dreg:$0x1] =	wrdreg $0xFFFFFFFF  }
0xad: {  	[dreg:$0x0] =	wrdreg $0x60  }
0xae: {  	[dreg:$0x2] =	wrdreg s24  }
0xaf: {  	[dreg:$0x3] =	wrdreg s2  }
0xb0: {  	[dreg:$0x4] =	wrdreg $0x0  }
0xb1: {  	[dreg:$0x5] =	wrdreg $0x9  }
0xb2: {  	_ =	task.clear_ibuf [dreg:s7], $0x6FFFF;
	_ =	strace $0x90000046  }
0xb3: {  	s29 =	simm.s32 $0x9;
	_ =	strace $0x80000048  }
0xb4: {  	_ =	swait.ge [sflag:s29], $0x1  }
0xb5: {  	[sflag:s29] =	ssyncadd.s32 $0xFFFFFFFF  }
0xb6: {  	_ =	strace $0x90000048  }
0xb7: {  	_ =	sfence  }
0xb8: {  	s30 =	sld [smem:$0x0];
	_ =	sdelay $0x2  }
0xb9: {  	s31 =	sshll.u32 s1, $0xD;
	s1 =	sshrl.u32 s1, $0x2  }
0xba: {  	s3 =	sand.u32 $0x4000, s31;
	s1 =	sadd.s32 s1, s30  }
0xbb: {  	s0 =	sor.u32 s3, s0;
	s1 =	sshll.u32 s1, $0x11  }
0xbc: {  	s0 =	sor.u32 s1, s0  }
0xbd: {  	s0 =	sadd.s32 $0x8F2B, s0  }
0xbe: {  	[sflag:s0] =	ssyncadd.remote.s32 $0x1  }
0xbf: {  	_ =	sfence.sel $0xFFFF  }
0xc0: {  	[dreg:$0x0] =	wrdreg $0xFFFFFFFF;
	(pc) =	sbr.abs _section_cstart, $3  }
0xc1: {  	[dreg:$0x1] =	wrdreg $0xFFFFFFFF  }
0xc2: {  	_ =	task.clear_ibuf [dreg:s7], $0x2FFFF;
	_ =	strace $0x9FFFFFFF  }
0xc3: {  	(tm) =	ssettm $0x7FFFFFFF  }
tec
execute0_lowered:
.L_overlay_start_1:
0x0: {  	(tag) =	ssettag $0x1  }
0x1: {  	s0 =	srdreg.scid;
	s4 =	rddreg [dreg:$0x0]  }
0x2: {  	s12 =	stileid.u32;
	s13 =	rddreg [dreg:$0x1]  }
0x3: {  	s17 =	simm.s32 $0x5;
	s18 =	simm.s32 $0x80;
	s20 =	simm.s32 $0xA900  }
0x4: {  	s22 =	simm.s32 $0xE900;
	s24 =	simm.s32 $0x12900;
	s26 =	simm.s32 $0x16900  }
0x5: {  	s28 =	simm.s32 $0x1;
	s29 =	simm.s32 $0x3;
	s31 =	simm.s32 $0x8380  }
0x6: {  	s14 =	simm.s32 $0x4;
	s15 =	simm.s32 $0xA800;
	s16 =	simm.s32 $0xA880  }
0x7: {  	s0 =	sand.u32 $0x1, s0;
	s1 =	sshll.u32 s12, $0x1;
	s5 =	smul.u32 $0x12E80, s12  }
0x8: {  	s1 =	sor.u32 s0, s1;
	s7 =	ssub.s32 $0x2, s0;
	s0 =	smul.u32 $0x9740, s0  }
0x9: {  	s19 =	simm.s32 $0x0;
	s3 =	sadd.s32 $0x1DA00, s4;
	s2 =	smul.u32 $0x9740, s1  }
0xa: {  	p0 =	sne.s32 s12, $0x0;
	s1 =	rddreg [dreg:$0x2];
	s8 =	sshrl.u32 s7, $0x1  }
0xb: {  	s0 =	sadd.s32 s0, s5;
	s6 =	smulhi.u32 $0x8421085, s2;
	s2 =	simm.s32 $0x0  }
0xc: {  	s8 =	ssub.s32 s7, s8;
	s0 =	smulhi.u32 $0x8421085, s0;
	[smem:$0x7FF] =	sst s2  }
0xd: {  	s8 =	smax.u32 s8, $0x1;
	_ =	strace $0x80000047;
	s4 =	sadd.s32 s4, s6  }
0xe: {  	s30 =	sshll.u32 s6, $0x7;
	s0 =	sshll.u32 s0, $0x7;
	s5 =	sadd.s32 $0x13C00, s4  }
0xf: {  	s6 =	sadd.s32 $0x9E00, s4;
	s7 =	sadd.s32 s13, s30;
	s0 =	sadd.s32 s0, s13  }
0x10: {  	s13 =	sshrl.u32 @!p0 s1, $0x3;
	s9 =	sadd.s32 $0x1000, s7;
	s10 =	sadd.s32 $0x26000, s7  }
0x11: {  	s11 =	sadd.s32 $0x27000, s7;
	s12 =	sadd.s32 $0x2000, s0;
	s0 =	simm.s32 $0x2  }
.LBB2_1:
0x12: {  	s21 =	simm.s32 @!p0 $0x1C06  }
0x13: {  	[spmem:s13], [sflag:s21] =	dma.local @!p0 [hbm:s3], $0x1200  }
0x14: {  	s21 =	simm.s32 @!p0 $0x6  }
0x15: {  	_ =	swait.ge @!p0 [sflag:s21], $0x1200  }
0x16: {  	[sflag:s21] =	ssyncset.done @!p0 $0x0  }
0x17: {  	s23 =	simm.s32 $0x900;
	[sflag:s21] =	ssyncadd.s32 @!p0 $0xFFFFEE00  }
0x18: {  	[tilespmem:s23], [sflag:$0x5] =	stream.linear.gather [hbm4b:s5+s2], $0x2800, $0x38;
	[tilespmem:$0x1A900] =	vst v63  }
0x19: {  	s25 =	simm.s32 $0x3100  }
0x1a: {  	[tilespmem:s25], [sflag:$0x5] =	stream.linear.gather [hbm4b:s6+s2], $0x2800, $0x38;
	[tilespmem:$0x1A900] =	vst v63  }
0x1b: {  	s30 =	simm.s32 $0x5900  }
0x1c: {  	[tilespmem:s30], [sflag:$0x5] =	stream.linear.gather [hbm4b:s4+s2], $0x2800, $0x38;
	[tilespmem:$0x1A900] =	vst v63  }
0x1d: {  	_ =	swait.ge [sflag:s17], $0x2800  }
0x1e: {  	[sflag:s17] =	ssyncset.done $0x0  }
0x1f: {  	[sflag:s17] =	ssyncadd.s32 $0xFFFFD800  }
0x20: {  	_ =	swait.ge [sflag:s17], $0x2800  }
0x21: {  	[sflag:s17] =	ssyncset.done $0x0  }
0x22: {  	[sflag:s17] =	ssyncadd.s32 $0xFFFFD800  }
0x23: {  	_ =	swait.ge [sflag:s17], $0x2800  }
0x24: {  	[sflag:s17] =	ssyncset.done $0x0  }
0x25: {  	s21 =	simm.s32 $0x0;
	[sflag:s17] =	ssyncadd.s32 $0xFFFFD800  }
0x26: {  	v0 =	vld [tilespmem:s21+$0x970]  }
0x27: {  	v1 =	vld [tilespmem:s21+$0x900]  }
0x28: {  	v2 =	vld [tilespmem:s21+$0x3170]  }
0x29: {  	v3 =	vld [tilespmem:s21+$0x910]  }
0x2a: {  	v4 =	vld [tilespmem:s21+$0x5970]  }
0x2b: {  	v5 =	vld [tilespmem:s21+$0x920]  }
0x2c: {  	v6 =	vld [tilespmem:s21+$0x930]  }
0x2d: {  	v7 =	vld [tilespmem:s21+$0x940]  }
0x2e: {  	v8 =	vld [tilespmem:s21+$0x960]  }
0x2f: {  	v9 =	vld [tilespmem:s21+$0x3120];
	v0 =	vmul.u32 $0x6, v0  }
0x30: {  	v10 =	vld [tilespmem:s21+$0x3130]  }
0x31: {  	v11 =	vld [tilespmem:s21+$0x3140];
	v0 =	vadd.s32 v2, v0  }
0x32: {  	v12 =	vld [tilespmem:s21+$0x3150];
	v0 =	vshll.u32 v0, $0x1  }
0x33: {  	v2 =	vld [tilespmem:s21+$0x950];
	v0 =	vadd.s32 v4, v0  }
0x34: {  	[tilespmem:s21+$0x8170] =	vst v0;
	v0 =	vld [tilespmem:s21+$0x3110]  }
0x35: {  	v4 =	vld [tilespmem:s21+$0x3100]  }
0x36: {  	v13 =	vld [tilespmem:s21+$0x3160];
	v5 =	vmul.u32 $0x6, v5;
	v6 =	vmul.u32 $0x6, v6;
	v7 =	vmul.u32 $0x6, v7  }
0x37: {  	v14 =	vld [tilespmem:s21+$0x5900];
	v1 =	vmul.u32 $0x6, v1;
	v3 =	vmul.u32 $0x6, v3  }
0x38: {  	v15 =	vld [tilespmem:s21+$0x5910];
	v5 =	vadd.s32 v9, v5;
	v6 =	vadd.s32 v10, v6;
	v9 =	vadd.s32 v11, v7  }
0x39: {  	v10 =	vmul.u32 $0x6, v8;
	v2 =	vmul.u32 $0x6, v2;
	v3 =	vadd.s32 v0, v3;
	v0 =	vld [tilespmem:s21+$0x5920]  }
0x3a: {  	v7 =	vshll.u32 v5, $0x1;
	v8 =	vshll.u32 v6, $0x1;
	v4 =	vadd.s32 v4, v1;
	v1 =	vld [tilespmem:s21+$0x5930]  }
0x3b: {  	v5 =	vshll.u32 v9, $0x1;
	v11 =	vadd.s32 v12, v2;
	v2 =	vld [tilespmem:s21+$0x5940];
	v4 =	vshll.u32 v4, $0x1  }
0x3c: {  	v9 =	vadd.s32 v13, v10;
	v63 =	vshll.u32 v3, $0x1;
	v4 =	vadd.s32 v14, v4;
	v3 =	vld [tilespmem:s21+$0x5950]  }
0x3d: {  	s23 =	simm.s32 $0x80;
	s25 =	simm.s32 $0x400;
	v6 =	vshll.u32 v11, $0x1;
	[tilespmem:s21+$0x8100] =	vst v4;
	v4 =	vshll.u32 v9, $0x1;
	v10 =	vadd.s32 v15, v63;
	v9 =	vld [tilespmem:s21+$0x5960]  }
.LBB2_2:
0x3e: {  	p1 =	sne.s32 s25, $0x9E00;
	v11 =	vld [tilespmem:s23+$0x970];
	[tilespmem:s21+$0x8110] =	vst v10;
	v0 =	vadd.s32 v0, v7  }
0x3f: {  	v7 =	vld [tilespmem:s23+$0x900];
	[tilespmem:s21+$0x8120] =	vst v0;
	v0 =	vadd.s32 v1, v8  }
0x40: {  	v1 =	vld [tilespmem:s23+$0x3170];
	[tilespmem:s21+$0x8130] =	vst v0;
	v0 =	vadd.s32 v2, v5  }
0x41: {  	v2 =	vld [tilespmem:s23+$0x910];
	[tilespmem:s21+$0x8140] =	vst v0;
	v0 =	vadd.s32 v3, v6  }
0x42: {  	v3 =	vld [tilespmem:s23+$0x5970];
	[tilespmem:s21+$0x8150] =	vst v0;
	v0 =	vadd.s32 v9, v4  }
0x43: {  	v4 =	vld [tilespmem:s23+$0x920];
	v5 =	vmul.u32 $0x6, v11;
	[tilespmem:s21+$0x8160] =	vst v0;
	s21 =	smov.u32 s23  }
0x44: {  	v0 =	vmul.u32 $0x6, v7;
	v6 =	vld [tilespmem:s21+$0x930]  }
0x45: {  	v7 =	vld [tilespmem:s21+$0x940];
	v1 =	vadd.s32 v1, v5  }
0x46: {  	v2 =	vmul.u32 $0x6, v2;
	v5 =	vld [tilespmem:s21+$0x950];
	v1 =	vshll.u32 v1, $0x1  }
0x47: {  	v8 =	vld [tilespmem:s21+$0x960];
	v1 =	vadd.s32 v3, v1  }
0x48: {  	v3 =	vld [tilespmem:s21+$0x3100];
	v4 =	vmul.u32 $0x6, v4;
	[tilespmem:s21+$0x8170] =	vst v1  }
0x49: {  	v1 =	vld [tilespmem:s21+$0x3110];
	v6 =	vmul.u32 $0x6, v6  }
0x4a: {  	v9 =	vld [tilespmem:s21+$0x3120];
	v10 =	vmul.u32 $0x6, v7  }
0x4b: {  	v11 =	vld [tilespmem:s21+$0x3130];
	v12 =	vmul.u32 $0x6, v5  }
0x4c: {  	v5 =	vld [tilespmem:s21+$0x3140];
	v13 =	vmul.u32 $0x6, v8  }
0x4d: {  	v0 =	vadd.s32 v3, v0;
	v3 =	vld [tilespmem:s21+$0x3150]  }
0x4e: {  	v14 =	vshll.u32 v0, $0x1;
	v0 =	vadd.s32 v1, v2;
	v15 =	vld [tilespmem:s21+$0x3160]  }
0x4f: {  	v16 =	vld [tilespmem:s21+$0x5900];
	v17 =	vshll.u32 v0, $0x1;
	v0 =	vadd.s32 v9, v4  }
0x50: {  	v9 =	vld [tilespmem:s21+$0x5910];
	v7 =	vshll.u32 v0, $0x1;
	v1 =	vadd.s32 v11, v6  }
.Ltmp0:
0x51: {  	v0 =	vld [tilespmem:s21+$0x5920];
	v8 =	vshll.u32 v1, $0x1;
	v2 =	vadd.s32 v5, v10;
	(pc) =	sbr.rel @p1 .LBB2_2-.Ltmp0, $4  }
0x52: {  	v1 =	vld [tilespmem:s21+$0x5930];
	v5 =	vshll.u32 v2, $0x1;
	v3 =	vadd.s32 v3, v12  }
0x53: {  	v2 =	vld [tilespmem:s21+$0x5940];
	v6 =	vshll.u32 v3, $0x1;
	v4 =	vadd.s32 v15, v13  }
0x54: {  	v10 =	vadd.s32 v16, v14;
	v3 =	vld [tilespmem:s21+$0x5950];
	v4 =	vshll.u32 v4, $0x1  }
0x55: {  	s23 =	sshra.s32 s25, $0x2;
	s25 =	sadd.s32 $0x200, s25;
	[tilespmem:s21+$0x8100] =	vst v10;
	v10 =	vadd.s32 v9, v17;
	v9 =	vld [tilespmem:s21+$0x5960]  }
0x56: {  	v11 =	vld [tilespmem:s23+$0x970];
	[tilespmem:s21+$0x8110] =	vst v10;
	v0 =	vadd.s32 v0, v7  }
0x57: {  	v34 =	vld [tilespmem:s23+$0x900];
	[tilespmem:s21+$0x8120] =	vst v0;
	v35 =	vadd.s32 v1, v8  }
0x58: {  	v36 =	vld [tilespmem:s23+$0x3170];
	[tilespmem:s21+$0x8130] =	vst v35;
	v37 =	vadd.s32 v2, v5  }
0x59: {  	v38 =	vld [tilespmem:s23+$0x910];
	[tilespmem:s21+$0x8140] =	vst v37;
	v39 =	vadd.s32 v3, v6  }
0x5a: {  	v40 =	vld [tilespmem:s23+$0x5970];
	[tilespmem:s21+$0x8150] =	vst v39;
	v41 =	vadd.s32 v9, v4  }
0x5b: {  	v42 =	vld [tilespmem:s23+$0x920];
	[tilespmem:s21+$0x8160] =	vst v41  }
0x5c: {  	v44 =	vld [tilespmem:s23+$0x930]  }
0x5d: {  	v45 =	vld [tilespmem:s23+$0x940]  }
0x5e: {  	v46 =	vld [tilespmem:s23+$0x950]  }
0x5f: {  	v47 =	vld [tilespmem:s23+$0x960]  }
0x60: {  	v48 =	vld [tilespmem:s23+$0x3100]  }
0x61: {  	v49 =	vld [tilespmem:s23+$0x3110]  }
0x62: {  	v50 =	vld [tilespmem:s23+$0x3120]  }
0x63: {  	v10 =	vld [tilespmem:s23+$0x3130]  }
0x64: {  	v51 =	vld [tilespmem:s23+$0x3140]  }
0x65: {  	v43 =	vmul.u32 $0x6, v11;
	v12 =	vld [tilespmem:s23+$0x3150]  }
0x66: {  	v13 =	vld [tilespmem:s23+$0x3160]  }
0x67: {  	v14 =	vld [tilespmem:s23+$0x5900];
	v7 =	vmul.u32 $0x6, v34;
	v0 =	vadd.s32 v36, v43  }
0x68: {  	v15 =	vld [tilespmem:s23+$0x5910];
	v0 =	vshll.u32 v0, $0x1;
	v2 =	vmul.u32 $0x6, v38  }
0x69: {  	v16 =	vld [tilespmem:s23+$0x5920];
	v0 =	vadd.s32 v40, v0;
	v4 =	vmul.u32 $0x6, v42;
	v3 =	vadd.s32 v48, v7  }
0x6a: {  	v52 =	vld [tilespmem:s23+$0x5930];
	[tilespmem:s23+$0x8170] =	vst v0;
	v5 =	vmul.u32 $0x6, v44;
	v6 =	vmul.u32 $0x6, v45;
	v0 =	vadd.s32 v49, v2  }
0x6b: {  	v17 =	vld [tilespmem:s23+$0x5940];
	v1 =	vmul.u32 $0x6, v46;
	v8 =	vmul.u32 $0x6, v47;
	v3 =	vshll.u32 v3, $0x1  }
0x6c: {  	v54 =	vld [tilespmem:s23+$0x5950];
	v53 =	vadd.s32 v50, v4;
	v0 =	vshll.u32 v0, $0x1;
	v3 =	vadd.s32 v14, v3  }
0x6d: {  	v55 =	vld [tilespmem:s23+$0x5960];
	v5 =	vadd.s32 v10, v5;
	v2 =	vshll.u32 v53, $0x1;
	v0 =	vadd.s32 v15, v0;
	[tilespmem:s23+$0x8100] =	vst v3  }
0x6e: {  	v6 =	vadd.s32 v51, v6;
	v5 =	vshll.u32 v5, $0x1;
	[tilespmem:s23+$0x8110] =	vst v0;
	v56 =	vadd.s32 v16, v2  }
0x6f: {  	v1 =	vadd.s32 v12, v1;
	v57 =	vshll.u32 v6, $0x1;
	[tilespmem:s23+$0x8120] =	vst v56;
	v58 =	vadd.s32 v52, v5  }
0x70: {  	v59 =	vadd.s32 v13, v8;
	v1 =	vshll.u32 v1, $0x1;
	v60 =	vadd.s32 v17, v57;
	[tilespmem:s23+$0x8130] =	vst v58  }
0x71: {  	v61 =	vshll.u32 v59, $0x1;
	v62 =	vadd.s32 v54, v1;
	[tilespmem:s23+$0x8140] =	vst v60  }
0x72: {  	v63 =	vadd.s32 v55, v61;
	[tilespmem:s23+$0x8150] =	vst v62  }
0x73: {  	[tilespmem:s23+$0x8160] =	vst v63  }
0x74: {  	s25 =	simm.s32 $0x8100;
	[bflag:$0x0] =	sbarrier.arrive $0xFFFF  }
0x75: {  	[tilespmem:s20], [sflag:$0x1] =	stream.indirect.gather [spmem:s1], $0x80, s25, s18, $0xb8;
	[tilespmem:$0x1A900] =	vst v63  }
0x76: {  	s30 =	simm.s32 $0x8180  }
0x77: {  	[tilespmem:s22], [sflag:$0x1] =	stream.indirect.gather [spmem:s1], $0x80, s30, s18, $0xb8;
	[tilespmem:$0x1A900] =	vst v63  }
0x78: {  	s23 =	simm.s32 $0x8200  }
0x79: {  	[tilespmem:s24], [sflag:$0x2] =	stream.indirect.gather [spmem:s1], $0x80, s23, s18, $0xb8;
	[tilespmem:$0x1A900] =	vst v63  }
0x7a: {  	s25 =	simm.s32 $0x8280  }
0x7b: {  	[tilespmem:s26], [sflag:$0x2] =	stream.indirect.gather [spmem:s1], $0x80, s25, s18, $0xb8;
	[tilespmem:$0x1A900] =	vst v63  }
0x7c: {  	_ =	swait.ge [sflag:s28], $0x4000  }
0x7d: {  	[sflag:s28] =	ssyncset.done $0x0  }
0x7e: {  	[sflag:s28] =	ssyncadd.s32 $0xFFFFC000  }
0x7f: {  	_ =	swait.ge [sflag:s28], $0x4000  }
0x80: {  	[sflag:s28] =	ssyncset.done $0x0  }
0x81: {  	s30 =	simm.s32 $0x0;
	[sflag:s28] =	ssyncadd.s32 $0xFFFFC000  }
0x82: {  	[hbm4b:s7+s30] =	stream.linear.scatter [tilespmem:s20], [sflag:$0x3], $0x8000, $0x38;
	[tilespmem:$0x1A900] =	vst v63  }
0x83: {  	_ =	swait.ge [sflag:s29], $0x8000  }
0x84: {  	[sflag:s29] =	ssyncset.done $0x0  }
0x85: {  	s25 =	simm.s32 $0x8300;
	[sflag:s29] =	ssyncadd.s32 $0xFFFF8000  }
0x86: {  	[tilespmem:s20], [sflag:$0x1] =	stream.indirect.gather [spmem:s1], $0x80, s25, s18, $0xb8;
	[tilespmem:$0x1A900] =	vst v63  }
0x87: {  	_ = 	snop  }
0x88: {  	[tilespmem:s22], [sflag:$0x1] =	stream.indirect.gather [spmem:s1], $0x80, s31, s18, $0xb8;
	[tilespmem:$0x1A900] =	vst v63  }
0x89: {  	_ =	swait.ge [sflag:s0], $0x4000  }
0x8a: {  	[sflag:s0] =	ssyncset.done $0x0  }
0x8b: {  	[sflag:s0] =	ssyncadd.s32 $0xFFFFC000  }
0x8c: {  	_ =	swait.ge [sflag:s0], $0x4000  }
0x8d: {  	[sflag:s0] =	ssyncset.done $0x0  }
0x8e: {  	[sflag:s0] =	ssyncadd.s32 $0xFFFFC000  }
0x8f: {  	[hbm4b:s9+s30] =	stream.linear.scatter [tilespmem:s24], [sflag:$0x4], $0x8000, $0x38;
	[tilespmem:$0x1A900] =	vst v63  }
0x90: {  	_ =	swait.ge [sflag:s14], $0x8000  }
0x91: {  	[sflag:s14] =	ssyncset.done $0x0  }
0x92: {  	s30 =	simm.s32 $0x8400;
	[sflag:s14] =	ssyncadd.s32 $0xFFFF8000  }
0x93: {  	[tilespmem:s24], [sflag:$0x2] =	stream.indirect.gather [spmem:s1], $0x80, s30, s18, $0xb8;
	[tilespmem:$0x1A900] =	vst v63  }
0x94: {  	s23 =	simm.s32 $0x8480  }
0x95: {  	[tilespmem:s26], [sflag:$0x2] =	stream.indirect.gather [spmem:s1], $0x80, s23, s18, $0xb8;
	[tilespmem:$0x1A900] =	vst v63  }
0x96: {  	_ =	swait.ge [sflag:s28], $0x4000  }
0x97: {  	[sflag:s28] =	ssyncset.done $0x0  }
0x98: {  	[sflag:s28] =	ssyncadd.s32 $0xFFFFC000  }
0x99: {  	_ =	swait.ge [sflag:s28], $0x4000  }
0x9a: {  	[sflag:s28] =	ssyncset.done $0x0  }
0x9b: {  	[sflag:s28] =	ssyncadd.s32 $0xFFFFC000  }
0x9c: {  	[hbm4b:s12+s2] =	stream.linear.scatter [tilespmem:s20], [sflag:$0x3], $0x8000, $0x38;
	[tilespmem:$0x1A900] =	vst v63  }
0x9d: {  	_ =	swait.ge [sflag:s29], $0x8000  }
0x9e: {  	[sflag:s29] =	ssyncset.done $0x0  }
0x9f: {  	s25 =	simm.s32 $0x8500;
	[sflag:s29] =	ssyncadd.s32 $0xFFFF8000  }
0xa0: {  	[tilespmem:s20], [sflag:$0x1] =	stream.indirect.gather [spmem:s1], $0x80, s25, s18, $0xb8;
	[tilespmem:$0x1A900] =	vst v63  }
0xa1: {  	s30 =	simm.s32 $0x8580  }
0xa2: {  	[tilespmem:s22], [sflag:$0x1] =	stream.indirect.gather [spmem:s1], $0x80, s30, s18, $0xb8;
	[tilespmem:$0x1A900] =	vst v63  }
0xa3: {  	_ =	swait.ge [sflag:s0], $0x4000  }
0xa4: {  	[sflag:s0] =	ssyncset.done $0x0  }
0xa5: {  	[sflag:s0] =	ssyncadd.s32 $0xFFFFC000  }
0xa6: {  	_ =	swait.ge [sflag:s0], $0x4000  }
0xa7: {  	s21 =	simm.s32 $0x800;
	[sflag:s0] =	ssyncset.done $0x0  }
0xa8: {  	s23 =	sadd.s32 $0x2000, s12;
	s25 =	sadd.s32 $0x1000, s12;
	[sflag:s0] =	ssyncadd.s32 $0xFFFFC000  }
.LBB2_4:
0xa9: {  	[hbm4b:s25+s2] =	stream.linear.scatter [tilespmem:s24], [sflag:$0x4], $0x8000, $0x38;
	[tilespmem:$0x1A900] =	vst v63  }
0xaa: {  	s25 =	smov.u32 s21  }
0xab: {  	p1 =	sne.s32 s21, $0x8800;
	s21 =	sadd.s32 $0x800, s21;
	_ =	swait.ge [sflag:s14], $0x8000  }
0xac: {  	s25 =	sshra.s32 s25, $0x2;
	[sflag:s14] =	ssyncset.done $0x0  }
0xad: {  	s30 =	sadd.s32 $0x8400, s25;
	[sflag:s14] =	ssyncadd.s32 $0xFFFF8000  }
0xae: {  	[tilespmem:s24], [sflag:$0x2] =	stream.indirect.gather [spmem:s1], $0x80, s30, s18, $0xb8;
	[tilespmem:$0x1A900] =	vst v63  }
0xaf: {  	s30 =	sadd.s32 $0x8480, s25  }
0xb0: {  	[tilespmem:s26], [sflag:$0x2] =	stream.indirect.gather [spmem:s1], $0x80, s30, s18, $0xb8;
	[tilespmem:$0x1A900] =	vst v63  }
0xb1: {  	_ =	swait.ge [sflag:s28], $0x4000  }
0xb2: {  	[sflag:s28] =	ssyncset.done $0x0  }
0xb3: {  	[sflag:s28] =	ssyncadd.s32 $0xFFFFC000  }
0xb4: {  	_ =	swait.ge [sflag:s28], $0x4000  }
0xb5: {  	[sflag:s28] =	ssyncset.done $0x0  }
0xb6: {  	[sflag:s28] =	ssyncadd.s32 $0xFFFFC000  }
0xb7: {  	[hbm4b:s23+s2] =	stream.linear.scatter [tilespmem:s20], [sflag:$0x3], $0x8000, $0x38;
	[tilespmem:$0x1A900] =	vst v63  }
0xb8: {  	_ =	swait.ge [sflag:s29], $0x8000  }
0xb9: {  	[sflag:s29] =	ssyncset.done $0x0  }
0xba: {  	s30 =	sadd.s32 $0x8500, s25;
	[sflag:s29] =	ssyncadd.s32 $0xFFFF8000  }
0xbb: {  	[tilespmem:s20], [sflag:$0x1] =	stream.indirect.gather [spmem:s1], $0x80, s30, s18, $0xb8;
	[tilespmem:$0x1A900] =	vst v63  }
0xbc: {  	s25 =	sadd.s32 $0x8580, s25  }
0xbd: {  	[tilespmem:s22], [sflag:$0x1] =	stream.indirect.gather [spmem:s1], $0x80, s25, s18, $0xb8;
	[tilespmem:$0x1A900] =	vst v63  }
0xbe: {  	_ =	swait.ge [sflag:s0], $0x4000  }
.Ltmp1:
0xbf: {  	[sflag:s0] =	ssyncset.done $0x0;
	(pc) =	sbr.rel @p1 .LBB2_4-.Ltmp1, $4  }
0xc0: {  	[sflag:s0] =	ssyncadd.s32 $0xFFFFC000  }
0xc1: {  	_ =	swait.ge [sflag:s0], $0x4000  }
0xc2: {  	[sflag:s0] =	ssyncset.done $0x0  }
0xc3: {  	s25 =	sadd.s32 $0x1000, s23;
	s23 =	sadd.s32 $0x2000, s23;
	[sflag:s0] =	ssyncadd.s32 $0xFFFFC000  }
0xc4: {  	[hbm4b:s25+s2] =	stream.linear.scatter [tilespmem:s24], [sflag:$0x4], $0x8000, $0x38;
	[tilespmem:$0x1A900] =	vst v63  }
0xc5: {  	_ =	swait.ge [sflag:s14], $0x8000  }
0xc6: {  	[sflag:s14] =	ssyncset.done $0x0  }
0xc7: {  	[sflag:s14] =	ssyncadd.s32 $0xFFFF8000  }
0xc8: {  	[tilespmem:s24], [sflag:$0x2] =	stream.indirect.gather [spmem:s1], $0x80, s15, s18, $0xb8;
	[tilespmem:$0x1A900] =	vst v63  }
0xc9: {  	_ = 	snop  }
0xca: {  	[tilespmem:s26], [sflag:$0x2] =	stream.indirect.gather [spmem:s1], $0x80, s16, s18, $0xb8;
	[tilespmem:$0x1A900] =	vst v63  }
0xcb: {  	_ =	swait.ge [sflag:s28], $0x4000  }
0xcc: {  	[sflag:s28] =	ssyncset.done $0x0  }
0xcd: {  	[sflag:s28] =	ssyncadd.s32 $0xFFFFC000  }
0xce: {  	_ =	swait.ge [sflag:s28], $0x4000  }
0xcf: {  	[sflag:s28] =	ssyncset.done $0x0  }
0xd0: {  	[sflag:s28] =	ssyncadd.s32 $0xFFFFC000  }
0xd1: {  	[hbm4b:s10+s2] =	stream.linear.scatter [tilespmem:s20], [sflag:$0x3], $0x8000, $0x38;
	[tilespmem:$0x1A900] =	vst v63  }
0xd2: {  	_ =	swait.ge [sflag:s0], $0x4000  }
0xd3: {  	[sflag:s0] =	ssyncset.done $0x0  }
0xd4: {  	[sflag:s0] =	ssyncadd.s32 $0xFFFFC000  }
0xd5: {  	_ =	swait.ge [sflag:s0], $0x4000  }
0xd6: {  	[sflag:s0] =	ssyncset.done $0x0  }
0xd7: {  	s19 =	sadd.s32 $0x1, s19;
	[sflag:s0] =	ssyncadd.s32 $0xFFFFC000  }
0xd8: {  	[hbm4b:s11+s2] =	stream.linear.scatter [tilespmem:s24], [sflag:$0x4], $0x8000, $0x38;
	[tilespmem:$0x1A900] =	vst v63  }
0xd9: {  	p1 =	sne.s32 s19, s8;
	_ =	swait.ge [sflag:s29], $0x8000  }
.Ltmp2:
0xda: {  	[sflag:s29] =	ssyncset.done $0x0;
	(pc) =	sbr.rel @p1 .LBB2_1-.Ltmp2, $4  }
0xdb: {  	[sflag:s29] =	ssyncadd.s32 $0xFFFF8000  }
0xdc: {  	_ =	swait.ge [sflag:s14], $0x8000  }
0xdd: {  	[sflag:s14] =	ssyncset.done $0x0  }
0xde: {  	[sflag:s14] =	ssyncadd.s32 $0xFFFF8000  }
0xdf: {  	_ =	sfence.sel $0x180000  }
0xe0: {  	[bflag:$0x0] =	sbarrier.arrive $0xFFFF  }
0xe1: {  	_ =	strace $0x90000047  }
0xe2: {  	[bflag:$0x2] =	sbarrier.arrive $0xFFFF  }
0xe3: {  	s0 =	rddreg [dreg:$0x3]  }
0xe4: {  	s0 =	sadd.s32 @!p0 $0x100000, s0  }
0xe5: {  	[sflag:s0] =	ssyncadd.tile.s32 @!p0 $0x1;
	_ =	shalt  }
.Lfunc_end2:
_tile_overlayer_lowered:
.L_overlay_start_2:
0xe6: {  	(tag) =	ssettag $0x2  }
0xe7: {  	s0 =	rddreg [dreg:$0x0];
	s2 =	stileid.u32  }
0xe8: {  	s1 =	rddreg [dreg:$0x1];
	p0 =	sne.s32 s2, $0x0  }
0xe9: {  	s3 =	rddreg [dreg:$0x2];
	[bflag:$0x3] =	sbarrier.arrive $0xFFFF;
	s2 =	simm.s32 @!p0 $0x1C06  }
0xea: {  	[timem:s3], [sflag:s2] =	dma.local @!p0 [hbm:s0], s1  }
0xeb: {  	s0 =	simm.s32 @!p0 $0x6  }
0xec: {  	_ =	swait.ge @!p0 [sflag:s0], s1  }
0xed: {  	s1 =	ssub.s32 @!p0 $0x0, s1;
	[sflag:s0] =	ssyncset.done @!p0 $0x0  }
0xee: {  	[sflag:s0] =	ssyncadd.s32 @!p0 s1  }
0xef: {  	[bflag:$0x3] =	sbarrier.arrive $0xFFFF  }
0xf0: {  	_ =	shalt  }

</sc_bundles>
